<compile_context>
chip_gen: v7x
topology: tpu7x:2x2x1
jax: 0.10.2.dev20260603
libtpu: 0.0.44.dev20260713+nightly
codegen_flags: <defaults>
</compile_context>

<pallas_src>
import jax
import jax.numpy as jnp
from jax import lax
from jax.experimental import pallas as pl
from jax.experimental.pallas import tpu as pltpu
from jax.experimental.pallas import tpu_sc as plsc

B = 16384
F = 26
V = 100000
D = 32

NC = 2
NS = 16
NW = NC * NS
BPW = B // NW
CH = 128
NJ = BPW // CH
L = 16
NSTEP = F * NJ
Q = 24960
GP = V - 3 * Q
TCW = 2560


def _body(tab_hbm, idx_hbm, out_hbm, idx_v, buf_v, acc_v, sem0, sem1):
    c = lax.axis_index("c")
    s = lax.axis_index("s")
    wid = s * NC + c

    pltpu.sync_copy(idx_hbm.at[wid], idx_v)

    def prep(i, _):
        f = i // (BPW // L)
        r = i - f * (BPW // L)
        j = r // (CH // L)
        cc = r - j * (CH // L)
        sl = (f, j, pl.ds(cc * L, L))
        v = idx_v[sl]
        q = jnp.minimum(v // Q, 3)
        idx_v[sl] = (f * GP + v - q * Q) * 4 + q
        return 0
    lax.fori_loop(0, F * BPW // L, prep, 0)

    def zstep(i, _):
        acc_v[pl.ds(i * L, L)] = jnp.zeros((L,), jnp.float32)
        return 0
    lax.fori_loop(0, BPW * D // L, zstep, 0)

    sems = (sem0, sem1)

    def fire(g, slot):
        f = g // NJ
        j = g - f * NJ
        pltpu.async_copy(tab_hbm.at[idx_v.at[f, j]], buf_v.at[slot],
                         sems[slot])

    def drain(slot):
        pltpu.make_async_copy(tab_hbm.at[idx_v.at[0, 0]], buf_v.at[slot],
                              sems[slot]).wait()

    def accumulate(g, slot):
        f = g // NJ
        j = g - f * NJ
        jbase = j * CH * D

        @plsc.parallel_loop(0, CH, unroll=4)
        def _al(r):
            for h in range(D // L):
                plsc.addupdate(acc_v.at[pl.ds(jbase + r * D + h * L, L)],
                               buf_v[slot, r, pl.ds(h * L, L)])

    fire(0, 0)

    def step(i, _):
        g0 = 2 * i
        fire(g0 + 1, 1)
        drain(0)
        accumulate(g0, 0)

        @pl.when(g0 + 2 < NSTEP)
        def _():
            fire(g0 + 2, 0)
        drain(1)
        accumulate(g0 + 1, 1)
        return 0
    lax.fori_loop(0, NSTEP // 2, step, 0)

    pltpu.sync_copy(acc_v, out_hbm.at[pl.ds(wid * BPW * D, BPW * D)])


def _tc_flatten_body(in_hbm, out_hbm, ibuf, obuf, sin0, sin1, so0, so1):
    sins = (sin0, sin1)
    souts = (so0, so1)
    K4 = GP // 4

    def fire_in(f, slot):
        for k in range(4):
            pltpu.async_copy(in_hbm.at[f, pl.ds(k * 8, 8)],
                             ibuf.at[slot, pl.ds(k * 8, 8)], sins[slot])

    def wait_in(slot):
        for k in range(4):
            pltpu.make_async_copy(in_hbm.at[0, pl.ds(k * 8, 8)],
                                  ibuf.at[slot, pl.ds(k * 8, 8)],
                                  sins[slot]).wait()

    def fire_out(f, slot):
        for k in range(4):
            pltpu.async_copy(obuf.at[slot, pl.ds(k * K4, K4)],
                             out_hbm.at[pl.ds(f * GP + k * K4, K4)],
                             souts[slot])

    def wait_out(slot):
        for k in range(4):
            pltpu.make_async_copy(obuf.at[slot, pl.ds(k * K4, K4)],
                                  out_hbm.at[pl.ds(k * K4, K4)],
                                  souts[slot]).wait()

    def compute(slot):
        def win(h, _):
            r0 = h * TCW
            parts = [
                ibuf[slot, :, pl.ds(s * Q + r0, TCW)].T
                for s in range(4)
            ]
            obuf[slot, pl.ds(r0, TCW), :] = jnp.concatenate(parts, axis=1)
            return 0
        nfull = GP // TCW
        lax.fori_loop(0, nfull, win, 0)
        r0 = nfull * TCW
        wt = GP - r0
        parts = [ibuf[slot, :, s * Q + r0:s * Q + r0 + wt].T
                 for s in range(4)]
        obuf[slot, r0:r0 + wt, :] = jnp.concatenate(parts, axis=1)

    fire_in(0, 0)
    fire_in(1, 1)

    def step(i, _):
        for slot in range(2):
            f = 2 * i + slot
            wait_in(slot)

            @pl.when(i > 0)
            def _():
                wait_out(slot)
            compute(slot)
            fire_out(f, slot)

            @pl.when(f + 2 < F)
            def _():
                fire_in(f + 2, slot)
        return 0
    lax.fori_loop(0, F // 2, step, 0)
    wait_out(0)
    wait_out(1)


def _tc_flatten(tabt):
    return pl.pallas_call(
        _tc_flatten_body,
        grid=(1,),
        in_specs=[pl.BlockSpec(memory_space=pl.ANY)],
        out_specs=pl.BlockSpec(memory_space=pl.ANY),
        out_shape=jax.ShapeDtypeStruct((F * GP, 128), jnp.float32),
        scratch_shapes=[
            pltpu.VMEM((2, D, V), jnp.float32),
            pltpu.VMEM((2, GP, 128), jnp.float32),
            pltpu.SemaphoreType.DMA,
            pltpu.SemaphoreType.DMA,
            pltpu.SemaphoreType.DMA,
            pltpu.SemaphoreType.DMA,
        ],
        compiler_params=pltpu.CompilerParams(
            vmem_limit_bytes=60000 * 1024),
    )(tabt)


@jax.jit
def _encode(tab, idx4):
    mesh = plsc.VectorSubcoreMesh(
        core_axis_name="c", subcore_axis_name="s",
        num_cores=NC, num_subcores=NS)
    fn = pl.kernel(
        _body,
        out_type=jax.ShapeDtypeStruct((B * D,), jnp.float32),
        mesh=mesh,
        scratch_types=[
            pltpu.VMEM((F, NJ, CH), jnp.int32),
            pltpu.VMEM((2, CH, D), jnp.float32),
            pltpu.VMEM((BPW * D,), jnp.float32),
            pltpu.SemaphoreType.DMA,
            pltpu.SemaphoreType.DMA,
        ],
        compiler_params=pltpu.CompilerParams(use_tc_tiling_on_sc=False,
                                             needs_layout_passes=False),
    )
    return fn(tab, idx4)


def kernel(x, tables):
    tab128 = _tc_flatten(tables.transpose(0, 2, 1))
    tab = tab128.reshape(F * GP * 4, D)
    idx4 = x.reshape(NW, NJ, CH, F).transpose(0, 3, 1, 2)
    out_flat = _encode(tab, idx4)
    return out_flat.reshape(B, D)

# --- scband reference (transcript-rebuilt; emitter-appended) ---
"""Pipeline reference for scband-categorical-encoder-89206470738569 (READ-ONLY COPY).

The authoritative reference and input builder live on the scoring server;
editing this copy changes nothing except your own understanding.
"""

import jax, jax.numpy as jnp
import numpy as np

B = 16384
F = 26
V = 100000
D = 32


def setup_inputs(seed: int = 0) -> dict:
    key = jax.random.key(seed)
    kx, kt = jax.random.split(key)
    x = jax.random.randint(kx, (B, F), 0, V, dtype=jnp.int32)
    # Stacked embedding tables: one table of shape [V, D] per sparse field.
    # All fields share the same vocab size here, so stack into [F, V, D].
    tables = jax.random.normal(kt, (F, V, D), dtype=jnp.float32) * 0.05
    return {"x": x, "tables": tables}


def reference(x, tables):
    # Faithful translation of CategoricalEncoder.forward:
    #   x_embedding = sum_i embedding_list[i](x[:, i])
    # gathered[i] = tables[i][x[:, i]]  -> shape [F, B, D]
    gathered = jax.vmap(lambda t, idx: jnp.take(t, idx, axis=0), in_axes=(0, 1))(tables, x)
    return jnp.sum(gathered, axis=0)

if __name__ == "__main__":
    import jax
    _d = setup_inputs()
    print(jax.jit(kernel)(*tuple(_d.values())))

</pallas_src>

<mosaic_0001>
#map = affine_map<(d0, d1) -> (0, 0)>
#map1 = affine_map<(d0, d1) -> (0, 0, 0, 0)>
#map2 = affine_map<(d0, d1) -> (0)>
module attributes {stable_mosaic.version = 14 : i64} {
  func.func @_body(%arg0: i32, %arg1: i32, %arg2: memref<2612480x32xf32, #tpu.memory_space<hbm>>, %arg3: memref<32x26x4x128xi32, #tpu.memory_space<hbm>>, %arg4: memref<524288xf32, #tpu.memory_space<hbm>>, %arg5: memref<26x4x128xi32, #tpu.memory_space<vmem>>, %arg6: memref<2x128x32xf32, #tpu.memory_space<vmem>>, %arg7: memref<16384xf32, #tpu.memory_space<vmem>>, %arg8: memref<!tpu.dma_semaphore, #tpu.memory_space<semaphore_mem>>, %arg9: memref<!tpu.dma_semaphore, #tpu.memory_space<semaphore_mem>>) attributes {dimension_semantics = [#tpu.dimension_semantics<core_parallel>, #tpu.dimension_semantics<subcore_parallel>], iteration_bounds = array<i64: 2, 16>, scalar_prefetch = 0 : i64, scratch_operands = 5 : i64, tpu.core_type = #tpu.core_type<sc_vector_subcore>, window_params = [{transform_indices = #map}, {transform_indices = #map1}, {transform_indices = #map2}]} {
    %mul3A = arith.constant 2 : i32
    %mul3A_0 = arith.muli %arg1, %mul3A : i32
    %add3A = arith.addi %mul3A_0, %arg0 : i32
    "tpu.region"() ({
      %run_scoped3A = tpu.sem_alloc : memref<!tpu.dma_semaphore, #tpu.memory_space<semaphore_mem>>
      %dma_start3A_37 = arith.constant 0 : i32
      %dma_start3A_38 = arith.constant 0 : i32
      %dma_start3A_39 = arith.constant 0 : i32
      %dma_start3A_40 = tpu.memref_slice %arg3[%add3A, %dma_start3A_37, %dma_start3A_38, %dma_start3A_39] : memref<32x26x4x128xi32, #tpu.memory_space<hbm>> -> memref<1x26x4x128xi32, #tpu.memory_space<hbm>>
      %dma_start3A_41 = tpu.memref_squeeze %dma_start3A_40 : memref<1x26x4x128xi32, #tpu.memory_space<hbm>> -> memref<26x4x128xi32, #tpu.memory_space<hbm>>
      %dma_start3A_42 = arith.constant 0 : i32
      %dma_start3A_43 = arith.constant 0 : i32
      %dma_start3A_44 = arith.constant 0 : i32
      %dma_start3A_45 = tpu.memref_slice %arg3[%add3A, %dma_start3A_42, %dma_start3A_43, %dma_start3A_44] : memref<32x26x4x128xi32, #tpu.memory_space<hbm>> -> memref<1x26x4x128xi32, #tpu.memory_space<hbm>>
      %dma_start3A_46 = tpu.memref_squeeze %dma_start3A_45 : memref<1x26x4x128xi32, #tpu.memory_space<hbm>> -> memref<26x4x128xi32, #tpu.memory_space<hbm>>
      tpu.enqueue_dma source(%dma_start3A_46 : memref<26x4x128xi32, #tpu.memory_space<hbm>>) target(%arg5 : memref<26x4x128xi32, #tpu.memory_space<vmem>>) target_semaphore(%run_scoped3A : memref<!tpu.dma_semaphore, #tpu.memory_space<semaphore_mem>>)
      %dma_wait3A = arith.constant 0 : i32
      %dma_wait3A_47 = arith.constant 0 : i32
      %dma_wait3A_48 = arith.constant 0 : i32
      %dma_wait3A_49 = tpu.memref_slice %arg3[%add3A, %dma_wait3A, %dma_wait3A_47, %dma_wait3A_48] : memref<32x26x4x128xi32, #tpu.memory_space<hbm>> -> memref<1x26x4x128xi32, #tpu.memory_space<hbm>>
      %dma_wait3A_50 = tpu.memref_squeeze %dma_wait3A_49 : memref<1x26x4x128xi32, #tpu.memory_space<hbm>> -> memref<26x4x128xi32, #tpu.memory_space<hbm>>
      %dma_wait3A_51 = arith.constant 0 : i32
      %dma_wait3A_52 = arith.constant 0 : i32
      %dma_wait3A_53 = arith.constant 0 : i32
      %dma_wait3A_54 = tpu.memref_slice %arg3[%add3A, %dma_wait3A_51, %dma_wait3A_52, %dma_wait3A_53] : memref<32x26x4x128xi32, #tpu.memory_space<hbm>> -> memref<1x26x4x128xi32, #tpu.memory_space<hbm>>
      %dma_wait3A_55 = tpu.memref_squeeze %dma_wait3A_54 : memref<1x26x4x128xi32, #tpu.memory_space<hbm>> -> memref<26x4x128xi32, #tpu.memory_space<hbm>>
      tpu.wait_dma2 semaphore(%run_scoped3A : memref<!tpu.dma_semaphore, #tpu.memory_space<semaphore_mem>>) src(%dma_wait3A_55 : memref<26x4x128xi32, #tpu.memory_space<hbm>>) dst(%arg5 : memref<26x4x128xi32, #tpu.memory_space<vmem>>)
      tpu.yield
    }) : () -> ()
    %scan3A = arith.constant 0 : i32
    %scan3A_1 = arith.constant 0 : i32
    %scan3A_2 = arith.constant 832 : i32
    %scan3A_3 = arith.addi %scan3A_1, %scan3A_2 : i32
    %scan3A_4 = arith.constant 1 : i32
    %scan3A_5 = scf.for %scan3A_37 = %scan3A_1 to %scan3A_3 step %scan3A_4 iter_args(%scan3A_38 = %scan3A) -> (i32)  : i32 {
      %jit3A = arith.constant 32 : i32
      %div3A = arith.divsi %scan3A_37, %jit3A : i32
      %sign3A = arith.constant 0 : i32
      %sign3A_39 = arith.cmpi sgt, %scan3A_37, %sign3A : i32
      %sign3A_40 = arith.extui %sign3A_39 : i1 to i32
      %sign3A_41 = arith.constant 0 : i32
      %sign3A_42 = arith.cmpi slt, %scan3A_37, %sign3A_41 : i32
      %sign3A_43 = arith.extui %sign3A_42 : i1 to i32
      %sign3A_44 = arith.subi %sign3A_40, %sign3A_43 : i32
      %sign3A_45 = arith.constant 0 : i32
      %sign3A_46 = arith.cmpi sgt, %jit3A, %sign3A_45 : i32
      %sign3A_47 = arith.extui %sign3A_46 : i1 to i32
      %sign3A_48 = arith.constant 0 : i32
      %sign3A_49 = arith.cmpi slt, %jit3A, %sign3A_48 : i32
      %sign3A_50 = arith.extui %sign3A_49 : i1 to i32
      %sign3A_51 = arith.subi %sign3A_47, %sign3A_50 : i32
      %ne3A = arith.cmpi ne, %sign3A_44, %sign3A_51 : i32
      %rem3A = arith.remsi %scan3A_37, %jit3A : i32
      %ne3A_52 = arith.constant 0 : i32
      %ne3A_53 = arith.cmpi ne, %rem3A, %ne3A_52 : i32
      %and3A = arith.andi %ne3A, %ne3A_53 : i1
      %sub3A = arith.constant 1 : i32
      %sub3A_54 = arith.subi %div3A, %sub3A : i32
      %select_n3A = arith.select %and3A, %sub3A_54, %div3A : i32
      %mul3A_55 = arith.constant 32 : i32
      %mul3A_56 = arith.muli %select_n3A, %mul3A_55 : i32
      %sub3A_57 = arith.subi %scan3A_37, %mul3A_56 : i32
      %jit3A_58 = arith.constant 8 : i32
      %div3A_59 = arith.divsi %sub3A_57, %jit3A_58 : i32
      %sign3A_60 = arith.constant 0 : i32
      %sign3A_61 = arith.cmpi sgt, %sub3A_57, %sign3A_60 : i32
      %sign3A_62 = arith.extui %sign3A_61 : i1 to i32
      %sign3A_63 = arith.constant 0 : i32
      %sign3A_64 = arith.cmpi slt, %sub3A_57, %sign3A_63 : i32
      %sign3A_65 = arith.extui %sign3A_64 : i1 to i32
      %sign3A_66 = arith.subi %sign3A_62, %sign3A_65 : i32
      %sign3A_67 = arith.constant 0 : i32
      %sign3A_68 = arith.cmpi sgt, %jit3A_58, %sign3A_67 : i32
      %sign3A_69 = arith.extui %sign3A_68 : i1 to i32
      %sign3A_70 = arith.constant 0 : i32
      %sign3A_71 = arith.cmpi slt, %jit3A_58, %sign3A_70 : i32
      %sign3A_72 = arith.extui %sign3A_71 : i1 to i32
      %sign3A_73 = arith.subi %sign3A_69, %sign3A_72 : i32
      %ne3A_74 = arith.cmpi ne, %sign3A_66, %sign3A_73 : i32
      %rem3A_75 = arith.remsi %sub3A_57, %jit3A_58 : i32
      %ne3A_76 = arith.constant 0 : i32
      %ne3A_77 = arith.cmpi ne, %rem3A_75, %ne3A_76 : i32
      %and3A_78 = arith.andi %ne3A_74, %ne3A_77 : i1
      %sub3A_79 = arith.constant 1 : i32
      %sub3A_80 = arith.subi %div3A_59, %sub3A_79 : i32
      %select_n3A_81 = arith.select %and3A_78, %sub3A_80, %div3A_59 : i32
      %mul3A_82 = arith.constant 8 : i32
      %mul3A_83 = arith.muli %select_n3A_81, %mul3A_82 : i32
      %sub3A_84 = arith.subi %sub3A_57, %mul3A_83 : i32
      %mul3A_85 = arith.constant 16 : i32
      %mul3A_86 = arith.muli %sub3A_84, %mul3A_85 : i32
      %get3A = arith.index_cast %select_n3A : i32 to index
      %get3A_87 = arith.index_cast %select_n3A_81 : i32 to index
      %get3A_88 = arith.index_cast %mul3A_86 : i32 to index
      %get3A_89 = tpu.vector_load %arg5[%get3A, %get3A_87, %get3A_88] {strides = array<i32>} : memref<26x4x128xi32, #tpu.memory_space<vmem>>, vector<16xi32>,
      %jit3A_90 = arith.constant 24960 : i32
      %div3A_91 = vector.broadcast %jit3A_90 : i32 to vector<16xi32>
      %div3A_92 = arith.divsi %get3A_89, %div3A_91 : vector<16xi32>
      %sign3A_93 = arith.constant 0 : i32
      %sign3A_94 = vector.broadcast %sign3A_93 : i32 to vector<16xi32>
      %sign3A_95 = arith.cmpi sgt, %get3A_89, %sign3A_94 : vector<16xi32>
      %sign3A_96 = arith.extui %sign3A_95 : vector<16xi1> to vector<16xi32>
      %sign3A_97 = arith.constant 0 : i32
      %sign3A_98 = vector.broadcast %sign3A_97 : i32 to vector<16xi32>
      %sign3A_99 = arith.cmpi slt, %get3A_89, %sign3A_98 : vector<16xi32>
      %sign3A_100 = arith.extui %sign3A_99 : vector<16xi1> to vector<16xi32>
      %sign3A_101 = arith.subi %sign3A_96, %sign3A_100 : vector<16xi32>
      %sign3A_102 = arith.constant 0 : i32
      %sign3A_103 = arith.cmpi sgt, %jit3A_90, %sign3A_102 : i32
      %sign3A_104 = arith.extui %sign3A_103 : i1 to i32
      %sign3A_105 = arith.constant 0 : i32
      %sign3A_106 = arith.cmpi slt, %jit3A_90, %sign3A_105 : i32
      %sign3A_107 = arith.extui %sign3A_106 : i1 to i32
      %sign3A_108 = arith.subi %sign3A_104, %sign3A_107 : i32
      %ne3A_109 = vector.broadcast %sign3A_108 : i32 to vector<16xi32>
      %ne3A_110 = arith.cmpi ne, %sign3A_101, %ne3A_109 : vector<16xi32>
      %rem3A_111 = vector.broadcast %jit3A_90 : i32 to vector<16xi32>
      %rem3A_112 = arith.remsi %get3A_89, %rem3A_111 : vector<16xi32>
      %ne3A_113 = arith.constant 0 : i32
      %ne3A_114 = vector.broadcast %ne3A_113 : i32 to vector<16xi32>
      %ne3A_115 = arith.cmpi ne, %rem3A_112, %ne3A_114 : vector<16xi32>
      %and3A_116 = arith.andi %ne3A_110, %ne3A_115 : vector<16xi1>
      %sub3A_117 = arith.constant 1 : i32
      %sub3A_118 = vector.broadcast %sub3A_117 : i32 to vector<16xi32>
      %sub3A_119 = arith.subi %div3A_92, %sub3A_118 : vector<16xi32>
      %select_n3A_120 = arith.select %and3A_116, %sub3A_119, %div3A_92 : vector<16xi1>, vector<16xi32>
      %min3A = arith.constant 3 : i32
      %min3A_121 = vector.broadcast %min3A : i32 to vector<16xi32>
      %min3A_122 = arith.minsi %select_n3A_120, %min3A_121 : vector<16xi32>
      %mul3A_123 = arith.constant 25120 : i32
      %mul3A_124 = arith.muli %select_n3A, %mul3A_123 : i32
      %add3A_125 = vector.broadcast %mul3A_124 : i32 to vector<16xi32>
      %add3A_126 = arith.addi %add3A_125, %get3A_89 : vector<16xi32>
      %mul3A_127 = arith.constant 24960 : i32
      %mul3A_128 = vector.broadcast %mul3A_127 : i32 to vector<16xi32>
      %mul3A_129 = arith.muli %min3A_122, %mul3A_128 : vector<16xi32>
      %sub3A_130 = arith.subi %add3A_126, %mul3A_129 : vector<16xi32>
      %mul3A_131 = arith.constant 4 : i32
      %mul3A_132 = vector.broadcast %mul3A_131 : i32 to vector<16xi32>
      %mul3A_133 = arith.muli %sub3A_130, %mul3A_132 : vector<16xi32>
      %add3A_134 = arith.addi %mul3A_133, %min3A_122 : vector<16xi32>
      %swap3A = arith.index_cast %select_n3A : i32 to index
      %swap3A_135 = arith.index_cast %select_n3A_81 : i32 to index
      %swap3A_136 = arith.index_cast %mul3A_86 : i32 to index
      %swap3A_137 = tpu.vector_load %arg5[%swap3A, %swap3A_135, %swap3A_136] {strides = array<i32>} : memref<26x4x128xi32, #tpu.memory_space<vmem>>, vector<16xi32>,
      tpu.vector_store %arg5[%swap3A, %swap3A_135, %swap3A_136], %add3A_134 {strides = array<i32>} : memref<26x4x128xi32, #tpu.memory_space<vmem>>, vector<16xi32>,
      %scan3A_138 = arith.constant 0 : i32
      scf.yield %scan3A_138 : i32
    }
    %scan3A_6 = arith.constant 832 : i32
    %scan3A_7 = arith.constant 0 : i32
    %scan3A_8 = arith.constant 0 : i32
    %scan3A_9 = arith.constant 1024 : i32
    %scan3A_10 = arith.addi %scan3A_8, %scan3A_9 : i32
    %scan3A_11 = arith.constant 1 : i32
    %scan3A_12 = scf.for %scan3A_37 = %scan3A_8 to %scan3A_10 step %scan3A_11 iter_args(%scan3A_38 = %scan3A_7) -> (i32)  : i32 {
      %broadcast_in_dim3A = arith.constant 0.000000e+00 : f32
      %broadcast_in_dim3A_39 = vector.broadcast %broadcast_in_dim3A : f32 to vector<16xf32>
      %mul3A_40 = arith.constant 16 : i32
      %mul3A_41 = arith.muli %scan3A_37, %mul3A_40 : i32
      %swap3A = arith.index_cast %mul3A_41 : i32 to index
      %swap3A_42 = tpu.vector_load %arg7[%swap3A] {strides = array<i32>} : memref<16384xf32, #tpu.memory_space<vmem>>, vector<16xf32>,
      tpu.vector_store %arg7[%swap3A], %broadcast_in_dim3A_39 {strides = array<i32>} : memref<16384xf32, #tpu.memory_space<vmem>>, vector<16xf32>,
      %scan3A_43 = arith.constant 0 : i32
      scf.yield %scan3A_43 : i32
    }
    %scan3A_13 = arith.constant 1024 : i32
    %dma_start3A = arith.constant 0 : i32
    %dma_start3A_14 = arith.constant 0 : i32
    %dma_start3A_15 = arith.constant 0 : i32
    %dma_start3A_16 = arith.constant 0 : i32
    %dma_start3A_17 = arith.constant 0 : i32
    %dma_start3A_18 = tpu.memref_slice %arg6[%dma_start3A_15, %dma_start3A_16, %dma_start3A_17] : memref<2x128x32xf32, #tpu.memory_space<vmem>> -> memref<1x128x32xf32, #tpu.memory_space<vmem>>
    %dma_start3A_19 = tpu.memref_squeeze %dma_start3A_18 : memref<1x128x32xf32, #tpu.memory_space<vmem>> -> memref<128x32xf32, #tpu.memory_space<vmem>>
    %dma_start3A_20 = arith.constant 0 : i32
    %dma_start3A_21 = tpu.memref_slice %arg5[%dma_start3A, %dma_start3A_14, %dma_start3A_20] : memref<26x4x128xi32, #tpu.memory_space<vmem>> -> memref<1x1x128xi32, #tpu.memory_space<vmem>>
    %dma_start3A_22 = tpu.memref_squeeze %dma_start3A_21 : memref<1x1x128xi32, #tpu.memory_space<vmem>> -> memref<128xi32, #tpu.memory_space<vmem>>
    %dma_start3A_23 = arith.constant 0 : i32
    %dma_start3A_24 = arith.constant 0 : i32
    %dma_start3A_25 = tpu.memref_slice %arg2[%dma_start3A_23, %dma_start3A_24] : memref<2612480x32xf32, #tpu.memory_space<hbm>> -> memref<2612480x32xf32, #tpu.memory_space<hbm>>
    tpu.enqueue_indirect_dma source(%dma_start3A_25 : memref<2612480x32xf32, #tpu.memory_space<hbm>>) target(%dma_start3A_19 : memref<128x32xf32, #tpu.memory_space<vmem>>) offsets(%dma_start3A_22 : memref<128xi32, #tpu.memory_space<vmem>>) semaphore(%arg8 : memref<!tpu.dma_semaphore, #tpu.memory_space<semaphore_mem>>)
    %scan3A_26 = arith.constant 0 : i32
    %scan3A_27 = arith.constant 0 : i32
    %scan3A_28 = arith.constant 52 : i32
    %scan3A_29 = arith.addi %scan3A_27, %scan3A_28 : i32
    %scan3A_30 = arith.constant 1 : i32
    %scan3A_31 = scf.for %scan3A_37 = %scan3A_27 to %scan3A_29 step %scan3A_30 iter_args(%scan3A_38 = %scan3A_26) -> (i32)  : i32 {
      %mul3A_39 = arith.constant 2 : i32
      %mul3A_40 = arith.muli %mul3A_39, %scan3A_37 : i32
      %add3A_41 = arith.constant 1 : i32
      %add3A_42 = arith.addi %mul3A_40, %add3A_41 : i32
      %jit3A = arith.constant 4 : i32
      %div3A = arith.divsi %add3A_42, %jit3A : i32
      %sign3A = arith.constant 0 : i32
      %sign3A_43 = arith.cmpi sgt, %add3A_42, %sign3A : i32
      %sign3A_44 = arith.extui %sign3A_43 : i1 to i32
      %sign3A_45 = arith.constant 0 : i32
      %sign3A_46 = arith.cmpi slt, %add3A_42, %sign3A_45 : i32
      %sign3A_47 = arith.extui %sign3A_46 : i1 to i32
      %sign3A_48 = arith.subi %sign3A_44, %sign3A_47 : i32
      %sign3A_49 = arith.constant 0 : i32
      %sign3A_50 = arith.cmpi sgt, %jit3A, %sign3A_49 : i32
      %sign3A_51 = arith.extui %sign3A_50 : i1 to i32
      %sign3A_52 = arith.constant 0 : i32
      %sign3A_53 = arith.cmpi slt, %jit3A, %sign3A_52 : i32
      %sign3A_54 = arith.extui %sign3A_53 : i1 to i32
      %sign3A_55 = arith.subi %sign3A_51, %sign3A_54 : i32
      %ne3A = arith.cmpi ne, %sign3A_48, %sign3A_55 : i32
      %rem3A = arith.remsi %add3A_42, %jit3A : i32
      %ne3A_56 = arith.constant 0 : i32
      %ne3A_57 = arith.cmpi ne, %rem3A, %ne3A_56 : i32
      %and3A = arith.andi %ne3A, %ne3A_57 : i1
      %sub3A = arith.constant 1 : i32
      %sub3A_58 = arith.subi %div3A, %sub3A : i32
      %select_n3A = arith.select %and3A, %sub3A_58, %div3A : i32
      %mul3A_59 = arith.constant 4 : i32
      %mul3A_60 = arith.muli %select_n3A, %mul3A_59 : i32
      %sub3A_61 = arith.subi %add3A_42, %mul3A_60 : i32
      %dma_start3A_62 = arith.constant 1 : i32
      %dma_start3A_63 = arith.constant 0 : i32
      %dma_start3A_64 = arith.constant 0 : i32
      %dma_start3A_65 = tpu.memref_slice %arg6[%dma_start3A_62, %dma_start3A_63, %dma_start3A_64] : memref<2x128x32xf32, #tpu.memory_space<vmem>> -> memref<1x128x32xf32, #tpu.memory_space<vmem>>
      %dma_start3A_66 = tpu.memref_squeeze %dma_start3A_65 : memref<1x128x32xf32, #tpu.memory_space<vmem>> -> memref<128x32xf32, #tpu.memory_space<vmem>>
      %dma_start3A_67 = arith.constant 0 : i32
      %dma_start3A_68 = tpu.memref_slice %arg5[%select_n3A, %sub3A_61, %dma_start3A_67] : memref<26x4x128xi32, #tpu.memory_space<vmem>> -> memref<1x1x128xi32, #tpu.memory_space<vmem>>
      %dma_start3A_69 = tpu.memref_squeeze %dma_start3A_68 : memref<1x1x128xi32, #tpu.memory_space<vmem>> -> memref<128xi32, #tpu.memory_space<vmem>>
      %dma_start3A_70 = arith.constant 0 : i32
      %dma_start3A_71 = arith.constant 0 : i32
      %dma_start3A_72 = tpu.memref_slice %arg2[%dma_start3A_70, %dma_start3A_71] : memref<2612480x32xf32, #tpu.memory_space<hbm>> -> memref<2612480x32xf32, #tpu.memory_space<hbm>>
      tpu.enqueue_indirect_dma source(%dma_start3A_72 : memref<2612480x32xf32, #tpu.memory_space<hbm>>) target(%dma_start3A_66 : memref<128x32xf32, #tpu.memory_space<vmem>>) offsets(%dma_start3A_69 : memref<128xi32, #tpu.memory_space<vmem>>) semaphore(%arg9 : memref<!tpu.dma_semaphore, #tpu.memory_space<semaphore_mem>>)
      %dma_wait3A = arith.constant 0 : i32
      %dma_wait3A_73 = arith.constant 0 : i32
      %dma_wait3A_74 = arith.constant 0 : i32
      %dma_wait3A_75 = arith.constant 0 : i32
      %dma_wait3A_76 = arith.constant 0 : i32
      %dma_wait3A_77 = tpu.memref_slice %arg6[%dma_wait3A_74, %dma_wait3A_75, %dma_wait3A_76] : memref<2x128x32xf32, #tpu.memory_space<vmem>> -> memref<1x128x32xf32, #tpu.memory_space<vmem>>
      %dma_wait3A_78 = tpu.memref_squeeze %dma_wait3A_77 : memref<1x128x32xf32, #tpu.memory_space<vmem>> -> memref<128x32xf32, #tpu.memory_space<vmem>>
      %dma_wait3A_79 = arith.constant 0 : i32
      %dma_wait3A_80 = tpu.memref_slice %arg5[%dma_wait3A, %dma_wait3A_73, %dma_wait3A_79] : memref<26x4x128xi32, #tpu.memory_space<vmem>> -> memref<1x1x128xi32, #tpu.memory_space<vmem>>
      %dma_wait3A_81 = tpu.memref_squeeze %dma_wait3A_80 : memref<1x1x128xi32, #tpu.memory_space<vmem>> -> memref<128xi32, #tpu.memory_space<vmem>>
      %dma_wait3A_82 = arith.constant 0 : i32
      %dma_wait3A_83 = arith.constant 0 : i32
      %dma_wait3A_84 = tpu.memref_slice %arg2[%dma_wait3A_82, %dma_wait3A_83] : memref<2612480x32xf32, #tpu.memory_space<hbm>> -> memref<2612480x32xf32, #tpu.memory_space<hbm>>
      tpu.wait_indirect_dma semaphore(%arg8 : memref<!tpu.dma_semaphore, #tpu.memory_space<semaphore_mem>>) src(%dma_wait3A_84 : memref<2612480x32xf32, #tpu.memory_space<hbm>>) dst(%dma_wait3A_78 : memref<128x32xf32, #tpu.memory_space<vmem>>)
      %jit3A_85 = arith.constant 4 : i32
      %div3A_86 = arith.divsi %mul3A_40, %jit3A_85 : i32
      %sign3A_87 = arith.constant 0 : i32
      %sign3A_88 = arith.cmpi sgt, %mul3A_40, %sign3A_87 : i32
      %sign3A_89 = arith.extui %sign3A_88 : i1 to i32
      %sign3A_90 = arith.constant 0 : i32
      %sign3A_91 = arith.cmpi slt, %mul3A_40, %sign3A_90 : i32
      %sign3A_92 = arith.extui %sign3A_91 : i1 to i32
      %sign3A_93 = arith.subi %sign3A_89, %sign3A_92 : i32
      %sign3A_94 = arith.constant 0 : i32
      %sign3A_95 = arith.cmpi sgt, %jit3A_85, %sign3A_94 : i32
      %sign3A_96 = arith.extui %sign3A_95 : i1 to i32
      %sign3A_97 = arith.constant 0 : i32
      %sign3A_98 = arith.cmpi slt, %jit3A_85, %sign3A_97 : i32
      %sign3A_99 = arith.extui %sign3A_98 : i1 to i32
      %sign3A_100 = arith.subi %sign3A_96, %sign3A_99 : i32
      %ne3A_101 = arith.cmpi ne, %sign3A_93, %sign3A_100 : i32
      %rem3A_102 = arith.remsi %mul3A_40, %jit3A_85 : i32
      %ne3A_103 = arith.constant 0 : i32
      %ne3A_104 = arith.cmpi ne, %rem3A_102, %ne3A_103 : i32
      %and3A_105 = arith.andi %ne3A_101, %ne3A_104 : i1
      %sub3A_106 = arith.constant 1 : i32
      %sub3A_107 = arith.subi %div3A_86, %sub3A_106 : i32
      %select_n3A_108 = arith.select %and3A_105, %sub3A_107, %div3A_86 : i32
      %mul3A_109 = arith.constant 4 : i32
      %mul3A_110 = arith.muli %select_n3A_108, %mul3A_109 : i32
      %sub3A_111 = arith.subi %mul3A_40, %mul3A_110 : i32
      %mul3A_112 = arith.constant 128 : i32
      %mul3A_113 = arith.muli %sub3A_111, %mul3A_112 : i32
      %mul3A_114 = arith.constant 32 : i32
      %mul3A_115 = arith.muli %mul3A_113, %mul3A_114 : i32
      %parallel_loop3A = arith.constant 0 : i32
      %parallel_loop3A_116 = arith.constant 128 : i32
      %parallel_loop3A_117 = arith.constant 1 : i32
      scf.for %parallel_loop3A_172 = %parallel_loop3A to %parallel_loop3A_116 step %parallel_loop3A_117  : i32 {
        %parallel_loop3A_173 = arith.constant 32 : i32
        %parallel_loop3A_174 = arith.muli %parallel_loop3A_172, %parallel_loop3A_173 : i32
        %parallel_loop3A_175 = arith.addi %mul3A_115, %parallel_loop3A_174 : i32
        %parallel_loop3A_176 = arith.constant 0 : i32
        %parallel_loop3A_177 = arith.addi %parallel_loop3A_175, %parallel_loop3A_176 : i32
        %parallel_loop3A_178 = arith.constant 0 : i32
        %parallel_loop3A_179 = arith.index_cast %parallel_loop3A_178 : i32 to index
        %parallel_loop3A_180 = arith.index_cast %parallel_loop3A_172 : i32 to index
        %parallel_loop3A_181 = arith.constant 0 : index
        %parallel_loop3A_182 = tpu.vector_load %arg6[%parallel_loop3A_179, %parallel_loop3A_180, %parallel_loop3A_181] {strides = array<i32>} : memref<2x128x32xf32, #tpu.memory_space<vmem>>, vector<16xf32>,
        %parallel_loop3A_183 = arith.index_cast %parallel_loop3A_177 : i32 to index
        %parallel_loop3A_184 = tpu.vector_load %arg7[%parallel_loop3A_183] {strides = array<i32>} : memref<16384xf32, #tpu.memory_space<vmem>>, vector<16xf32>,
        tpu.vector_store %arg7[%parallel_loop3A_183], %parallel_loop3A_182 {add = true, strides = array<i32>} : memref<16384xf32, #tpu.memory_space<vmem>>, vector<16xf32>,
        %parallel_loop3A_185 = arith.constant 32 : i32
        %parallel_loop3A_186 = arith.muli %parallel_loop3A_172, %parallel_loop3A_185 : i32
        %parallel_loop3A_187 = arith.addi %mul3A_115, %parallel_loop3A_186 : i32
        %parallel_loop3A_188 = arith.constant 16 : i32
        %parallel_loop3A_189 = arith.addi %parallel_loop3A_187, %parallel_loop3A_188 : i32
        %parallel_loop3A_190 = arith.constant 0 : i32
        %parallel_loop3A_191 = arith.index_cast %parallel_loop3A_190 : i32 to index
        %parallel_loop3A_192 = arith.index_cast %parallel_loop3A_172 : i32 to index
        %parallel_loop3A_193 = arith.constant 16 : index
        %parallel_loop3A_194 = tpu.vector_load %arg6[%parallel_loop3A_191, %parallel_loop3A_192, %parallel_loop3A_193] {strides = array<i32>} : memref<2x128x32xf32, #tpu.memory_space<vmem>>, vector<16xf32>,
        %parallel_loop3A_195 = arith.index_cast %parallel_loop3A_189 : i32 to index
        %parallel_loop3A_196 = tpu.vector_load %arg7[%parallel_loop3A_195] {strides = array<i32>} : memref<16384xf32, #tpu.memory_space<vmem>>, vector<16xf32>,
        tpu.vector_store %arg7[%parallel_loop3A_195], %parallel_loop3A_194 {add = true, strides = array<i32>} : memref<16384xf32, #tpu.memory_space<vmem>>, vector<16xf32>,
      } {sc.loop_unroll_factor = 4 : i64, sc.parallel_access}
      %add3A_118 = arith.constant 2 : i32
      %add3A_119 = arith.addi %mul3A_40, %add3A_118 : i32
      %lt3A = arith.constant 104 : i32
      %lt3A_120 = arith.cmpi slt, %add3A_119, %lt3A : i32
      %convert_element_type3A = arith.extui %lt3A_120 : i1 to i32
      %cond3A = arith.constant 0 : i32
      %cond3A_121 = arith.cmpi ne, %convert_element_type3A, %cond3A : i32
      scf.if %cond3A_121 {
        %add3A_172 = arith.constant 2 : i32
        %add3A_173 = arith.addi %mul3A_40, %add3A_172 : i32
        %jit3A_174 = arith.constant 4 : i32
        %div3A_175 = arith.divsi %add3A_173, %jit3A_174 : i32
        %sign3A_176 = arith.constant 0 : i32
        %sign3A_177 = arith.cmpi sgt, %add3A_173, %sign3A_176 : i32
        %sign3A_178 = arith.extui %sign3A_177 : i1 to i32
        %sign3A_179 = arith.constant 0 : i32
        %sign3A_180 = arith.cmpi slt, %add3A_173, %sign3A_179 : i32
        %sign3A_181 = arith.extui %sign3A_180 : i1 to i32
        %sign3A_182 = arith.subi %sign3A_178, %sign3A_181 : i32
        %sign3A_183 = arith.constant 0 : i32
        %sign3A_184 = arith.cmpi sgt, %jit3A_174, %sign3A_183 : i32
        %sign3A_185 = arith.extui %sign3A_184 : i1 to i32
        %sign3A_186 = arith.constant 0 : i32
        %sign3A_187 = arith.cmpi slt, %jit3A_174, %sign3A_186 : i32
        %sign3A_188 = arith.extui %sign3A_187 : i1 to i32
        %sign3A_189 = arith.subi %sign3A_185, %sign3A_188 : i32
        %ne3A_190 = arith.cmpi ne, %sign3A_182, %sign3A_189 : i32
        %rem3A_191 = arith.remsi %add3A_173, %jit3A_174 : i32
        %ne3A_192 = arith.constant 0 : i32
        %ne3A_193 = arith.cmpi ne, %rem3A_191, %ne3A_192 : i32
        %and3A_194 = arith.andi %ne3A_190, %ne3A_193 : i1
        %sub3A_195 = arith.constant 1 : i32
        %sub3A_196 = arith.subi %div3A_175, %sub3A_195 : i32
        %select_n3A_197 = arith.select %and3A_194, %sub3A_196, %div3A_175 : i32
        %mul3A_198 = arith.constant 4 : i32
        %mul3A_199 = arith.muli %select_n3A_197, %mul3A_198 : i32
        %sub3A_200 = arith.subi %add3A_173, %mul3A_199 : i32
        %dma_start3A_201 = arith.constant 0 : i32
        %dma_start3A_202 = arith.constant 0 : i32
        %dma_start3A_203 = arith.constant 0 : i32
        %dma_start3A_204 = tpu.memref_slice %arg6[%dma_start3A_201, %dma_start3A_202, %dma_start3A_203] : memref<2x128x32xf32, #tpu.memory_space<vmem>> -> memref<1x128x32xf32, #tpu.memory_space<vmem>>
        %dma_start3A_205 = tpu.memref_squeeze %dma_start3A_204 : memref<1x128x32xf32, #tpu.memory_space<vmem>> -> memref<128x32xf32, #tpu.memory_space<vmem>>
        %dma_start3A_206 = arith.constant 0 : i32
        %dma_start3A_207 = tpu.memref_slice %arg5[%select_n3A_197, %sub3A_200, %dma_start3A_206] : memref<26x4x128xi32, #tpu.memory_space<vmem>> -> memref<1x1x128xi32, #tpu.memory_space<vmem>>
        %dma_start3A_208 = tpu.memref_squeeze %dma_start3A_207 : memref<1x1x128xi32, #tpu.memory_space<vmem>> -> memref<128xi32, #tpu.memory_space<vmem>>
        %dma_start3A_209 = arith.constant 0 : i32
        %dma_start3A_210 = arith.constant 0 : i32
        %dma_start3A_211 = tpu.memref_slice %arg2[%dma_start3A_209, %dma_start3A_210] : memref<2612480x32xf32, #tpu.memory_space<hbm>> -> memref<2612480x32xf32, #tpu.memory_space<hbm>>
        tpu.enqueue_indirect_dma source(%dma_start3A_211 : memref<2612480x32xf32, #tpu.memory_space<hbm>>) target(%dma_start3A_205 : memref<128x32xf32, #tpu.memory_space<vmem>>) offsets(%dma_start3A_208 : memref<128xi32, #tpu.memory_space<vmem>>) semaphore(%arg8 : memref<!tpu.dma_semaphore, #tpu.memory_space<semaphore_mem>>)
      } else {
      }
      %dma_wait3A_122 = arith.constant 0 : i32
      %dma_wait3A_123 = arith.constant 0 : i32
      %dma_wait3A_124 = arith.constant 1 : i32
      %dma_wait3A_125 = arith.constant 0 : i32
      %dma_wait3A_126 = arith.constant 0 : i32
      %dma_wait3A_127 = tpu.memref_slice %arg6[%dma_wait3A_124, %dma_wait3A_125, %dma_wait3A_126] : memref<2x128x32xf32, #tpu.memory_space<vmem>> -> memref<1x128x32xf32, #tpu.memory_space<vmem>>
      %dma_wait3A_128 = tpu.memref_squeeze %dma_wait3A_127 : memref<1x128x32xf32, #tpu.memory_space<vmem>> -> memref<128x32xf32, #tpu.memory_space<vmem>>
      %dma_wait3A_129 = arith.constant 0 : i32
      %dma_wait3A_130 = tpu.memref_slice %arg5[%dma_wait3A_122, %dma_wait3A_123, %dma_wait3A_129] : memref<26x4x128xi32, #tpu.memory_space<vmem>> -> memref<1x1x128xi32, #tpu.memory_space<vmem>>
      %dma_wait3A_131 = tpu.memref_squeeze %dma_wait3A_130 : memref<1x1x128xi32, #tpu.memory_space<vmem>> -> memref<128xi32, #tpu.memory_space<vmem>>
      %dma_wait3A_132 = arith.constant 0 : i32
      %dma_wait3A_133 = arith.constant 0 : i32
      %dma_wait3A_134 = tpu.memref_slice %arg2[%dma_wait3A_132, %dma_wait3A_133] : memref<2612480x32xf32, #tpu.memory_space<hbm>> -> memref<2612480x32xf32, #tpu.memory_space<hbm>>
      tpu.wait_indirect_dma semaphore(%arg9 : memref<!tpu.dma_semaphore, #tpu.memory_space<semaphore_mem>>) src(%dma_wait3A_134 : memref<2612480x32xf32, #tpu.memory_space<hbm>>) dst(%dma_wait3A_128 : memref<128x32xf32, #tpu.memory_space<vmem>>)
      %add3A_135 = arith.constant 1 : i32
      %add3A_136 = arith.addi %mul3A_40, %add3A_135 : i32
      %jit3A_137 = arith.constant 4 : i32
      %div3A_138 = arith.divsi %add3A_136, %jit3A_137 : i32
      %sign3A_139 = arith.constant 0 : i32
      %sign3A_140 = arith.cmpi sgt, %add3A_136, %sign3A_139 : i32
      %sign3A_141 = arith.extui %sign3A_140 : i1 to i32
      %sign3A_142 = arith.constant 0 : i32
      %sign3A_143 = arith.cmpi slt, %add3A_136, %sign3A_142 : i32
      %sign3A_144 = arith.extui %sign3A_143 : i1 to i32
      %sign3A_145 = arith.subi %sign3A_141, %sign3A_144 : i32
      %sign3A_146 = arith.constant 0 : i32
      %sign3A_147 = arith.cmpi sgt, %jit3A_137, %sign3A_146 : i32
      %sign3A_148 = arith.extui %sign3A_147 : i1 to i32
      %sign3A_149 = arith.constant 0 : i32
      %sign3A_150 = arith.cmpi slt, %jit3A_137, %sign3A_149 : i32
      %sign3A_151 = arith.extui %sign3A_150 : i1 to i32
      %sign3A_152 = arith.subi %sign3A_148, %sign3A_151 : i32
      %ne3A_153 = arith.cmpi ne, %sign3A_145, %sign3A_152 : i32
      %rem3A_154 = arith.remsi %add3A_136, %jit3A_137 : i32
      %ne3A_155 = arith.constant 0 : i32
      %ne3A_156 = arith.cmpi ne, %rem3A_154, %ne3A_155 : i32
      %and3A_157 = arith.andi %ne3A_153, %ne3A_156 : i1
      %sub3A_158 = arith.constant 1 : i32
      %sub3A_159 = arith.subi %div3A_138, %sub3A_158 : i32
      %select_n3A_160 = arith.select %and3A_157, %sub3A_159, %div3A_138 : i32
      %mul3A_161 = arith.constant 4 : i32
      %mul3A_162 = arith.muli %select_n3A_160, %mul3A_161 : i32
      %sub3A_163 = arith.subi %add3A_136, %mul3A_162 : i32
      %mul3A_164 = arith.constant 128 : i32
      %mul3A_165 = arith.muli %sub3A_163, %mul3A_164 : i32
      %mul3A_166 = arith.constant 32 : i32
      %mul3A_167 = arith.muli %mul3A_165, %mul3A_166 : i32
      %parallel_loop3A_168 = arith.constant 0 : i32
      %parallel_loop3A_169 = arith.constant 128 : i32
      %parallel_loop3A_170 = arith.constant 1 : i32
      scf.for %parallel_loop3A_172 = %parallel_loop3A_168 to %parallel_loop3A_169 step %parallel_loop3A_170  : i32 {
        %parallel_loop3A_173 = arith.constant 32 : i32
        %parallel_loop3A_174 = arith.muli %parallel_loop3A_172, %parallel_loop3A_173 : i32
        %parallel_loop3A_175 = arith.addi %mul3A_167, %parallel_loop3A_174 : i32
        %parallel_loop3A_176 = arith.constant 0 : i32
        %parallel_loop3A_177 = arith.addi %parallel_loop3A_175, %parallel_loop3A_176 : i32
        %parallel_loop3A_178 = arith.constant 1 : i32
        %parallel_loop3A_179 = arith.index_cast %parallel_loop3A_178 : i32 to index
        %parallel_loop3A_180 = arith.index_cast %parallel_loop3A_172 : i32 to index
        %parallel_loop3A_181 = arith.constant 0 : index
        %parallel_loop3A_182 = tpu.vector_load %arg6[%parallel_loop3A_179, %parallel_loop3A_180, %parallel_loop3A_181] {strides = array<i32>} : memref<2x128x32xf32, #tpu.memory_space<vmem>>, vector<16xf32>,
        %parallel_loop3A_183 = arith.index_cast %parallel_loop3A_177 : i32 to index
        %parallel_loop3A_184 = tpu.vector_load %arg7[%parallel_loop3A_183] {strides = array<i32>} : memref<16384xf32, #tpu.memory_space<vmem>>, vector<16xf32>,
        tpu.vector_store %arg7[%parallel_loop3A_183], %parallel_loop3A_182 {add = true, strides = array<i32>} : memref<16384xf32, #tpu.memory_space<vmem>>, vector<16xf32>,
        %parallel_loop3A_185 = arith.constant 32 : i32
        %parallel_loop3A_186 = arith.muli %parallel_loop3A_172, %parallel_loop3A_185 : i32
        %parallel_loop3A_187 = arith.addi %mul3A_167, %parallel_loop3A_186 : i32
        %parallel_loop3A_188 = arith.constant 16 : i32
        %parallel_loop3A_189 = arith.addi %parallel_loop3A_187, %parallel_loop3A_188 : i32
        %parallel_loop3A_190 = arith.constant 1 : i32
        %parallel_loop3A_191 = arith.index_cast %parallel_loop3A_190 : i32 to index
        %parallel_loop3A_192 = arith.index_cast %parallel_loop3A_172 : i32 to index
        %parallel_loop3A_193 = arith.constant 16 : index
        %parallel_loop3A_194 = tpu.vector_load %arg6[%parallel_loop3A_191, %parallel_loop3A_192, %parallel_loop3A_193] {strides = array<i32>} : memref<2x128x32xf32, #tpu.memory_space<vmem>>, vector<16xf32>,
        %parallel_loop3A_195 = arith.index_cast %parallel_loop3A_189 : i32 to index
        %parallel_loop3A_196 = tpu.vector_load %arg7[%parallel_loop3A_195] {strides = array<i32>} : memref<16384xf32, #tpu.memory_space<vmem>>, vector<16xf32>,
        tpu.vector_store %arg7[%parallel_loop3A_195], %parallel_loop3A_194 {add = true, strides = array<i32>} : memref<16384xf32, #tpu.memory_space<vmem>>, vector<16xf32>,
      } {sc.loop_unroll_factor = 4 : i64, sc.parallel_access}
      %scan3A_171 = arith.constant 0 : i32
      scf.yield %scan3A_171 : i32
    }
    %scan3A_32 = arith.constant 52 : i32
    %mul3A_33 = arith.constant 512 : i32
    %mul3A_34 = arith.muli %add3A, %mul3A_33 : i32
    %mul3A_35 = arith.constant 32 : i32
    %mul3A_36 = arith.muli %mul3A_34, %mul3A_35 : i32
    "tpu.region"() ({
      %run_scoped3A = tpu.sem_alloc : memref<!tpu.dma_semaphore, #tpu.memory_space<semaphore_mem>>
      %dma_start3A_37 = tpu.memref_slice %arg4[%mul3A_36] : memref<524288xf32, #tpu.memory_space<hbm>> -> memref<16384xf32, #tpu.memory_space<hbm>>
      %dma_start3A_38 = tpu.memref_slice %arg4[%mul3A_36] : memref<524288xf32, #tpu.memory_space<hbm>> -> memref<16384xf32, #tpu.memory_space<hbm>>
      tpu.enqueue_dma source(%arg7 : memref<16384xf32, #tpu.memory_space<vmem>>) target(%dma_start3A_38 : memref<16384xf32, #tpu.memory_space<hbm>>) target_semaphore(%run_scoped3A : memref<!tpu.dma_semaphore, #tpu.memory_space<semaphore_mem>>)
      %dma_wait3A = tpu.memref_slice %arg4[%mul3A_36] : memref<524288xf32, #tpu.memory_space<hbm>> -> memref<16384xf32, #tpu.memory_space<hbm>>
      %dma_wait3A_39 = tpu.memref_slice %arg4[%mul3A_36] : memref<524288xf32, #tpu.memory_space<hbm>> -> memref<16384xf32, #tpu.memory_space<hbm>>
      tpu.wait_dma2 semaphore(%run_scoped3A : memref<!tpu.dma_semaphore, #tpu.memory_space<semaphore_mem>>) src(%arg7 : memref<16384xf32, #tpu.memory_space<vmem>>) dst(%dma_wait3A_39 : memref<16384xf32, #tpu.memory_space<hbm>>)
      tpu.yield
    }) : () -> ()
    return
  }
}

</mosaic_0001>

<sc_bundles>
// kernel: _encode.3.cloned.1.call-start
scs
__scs_entry_jumppad:
0x0: {  	(pc) =	sbr.rel $0x88, $3  }
0x1: {  	(tag) =	ssettag $0x0;
	lr =	simm.s32 $0x1  }
0x2: {  	[smem:$0x3F9F] =	sst lr;
	_ =	strace $0xD0000000  }
0x3: {  	_ = 	snop  }
0x4: {  	_ = 	snop  }
0x5: {  	_ = 	snop  }
0x6: {  	_ = 	snop  }
0x7: {  	_ = 	snop  }
__scs_overlays_trampoline_lowered:
0x8: {  	[smem:$0x3FAE] =	sst s0  }
0x9: {  	[smem:$0x3FAF] =	sst s1  }
0xa: {  	[smem:$0x3FB0] =	sst s2  }
0xb: {  	[smem:$0x3FB1] =	sst s3  }
0xc: {  	[smem:$0x3FB2] =	sst s4  }
0xd: {  	[smem:$0x3FB3] =	sst s5  }
0xe: {  	[smem:$0x3FB4] =	sst s6  }
0xf: {  	[smem:$0x3FB5] =	sst s7  }
0x10: {  	[smem:$0x3FB6] =	sst s8  }
0x11: {  	[smem:$0x3FB7] =	sst s9;
	s0 =	simm.s32 @!p0 $0x0  }
0x12: {  	s1 =	sld [smem:$0x3F9D];
	s0 =	simm.s32 @p0 $0x1  }
0x13: {  	[smem:$0x3FB8] =	sst s0;
	s0 =	simm.s32 @!p1 $0x0  }
0x14: {  	s2 =	sld [smem:$0x3F9C];
	s0 =	simm.s32 @p1 $0x1  }
0x15: {  	[smem:$0x3FB9] =	sst s0;
	s0 =	simm.s32 @!p2 $0x0  }
0x16: {  	s3 =	sld [smem:$0x3FDB];
	s0 =	simm.s32 @p2 $0x1  }
0x17: {  	s4 =	simm.s32 $0x1BF5;
	[smem:$0x3FBB] =	sst s0  }
0x18: {  	s0 =	sld [smem:$0x3F9E];
	_ =	swait.ge [sflag:s4], $0x0  }
0x19: {  	s7 =	sld [smem:$0x3F9F]  }
0x1a: {  	s8 =	sadd.s32 $0xFFFFE003, lr  }
0x1b: {  	s9 =	sadd.s32 $0xFFFFFEF7, lr;
	s5 =	simm.s32 $0xFFFFFFFF;
	p2 =	slt.u32 s8, $0xFFFFF086  }
0x1c: {  	p1 =	slt.u32 s9, $0xF7A;
	s5 =	simm.s32 @!p2 $0x0  }
0x1d: {  	s5 =	simm.s32 @p1 $0x1;
	p0 =	seq.s32 s7, s2  }
0x1e: {  	s7 =	smul.u32 @!p0 $0xF7A, s2;
	p2 =	seq.s32 @!p0 s5, $0x0  }
0x1f: {  	s9 =	smul.u32 $0xF7A, s1;
	s8 =	simm.s32 @!p0 $0x1BF5;
	p2 =	por !p2, p0  }
0x20: {  	[sflag:s8] =	ssyncset.s32 @!p0 $0xFFFFF086;
	s6 =	sadd.s32 @!p0 s3, s7;
	s7 =	simm.s32 @!p0 $0x108  }
0x21: {  	s3 =	sadd.s32 s3, s9;
	s6 =	sadd.s32 @!p0 $0x88, s6;
	s7 =	simm.s32 @p2 $0x1082  }
0x22: {  	[simem:s7], [sflag:s8] =	dma.local @!p0 [hbm:s6], $0xF7A  }
0x23: {  	s9 =	sor.u32 $0xD0000000, s2;
	s6 =	simm.s32 $0x108;
	_ =	swait.ge @!p0 [sflag:s8], $0x0  }
0x24: {  	s3 =	sadd.s32 $0x88, s3;
	s6 =	simm.s32 @!p1 $0x1082;
	[sflag:s4] =	ssyncset.s32 $0xFFFFF086  }
0x25: {  	[simem:s6], [sflag:s4] =	dma.local [hbm:s3], $0xF7A  }
0x26: {  	[smem:$0x3F9F] =	sst s1;
	(tag) =	ssettag s2;
	_ =	strace s9  }
0x27: {  	s1 =	sld [smem:$0x3FAF]  }
0x28: {  	s2 =	sld [smem:$0x3FB0]  }
0x29: {  	s4 =	sld [smem:$0x3FB2]  }
0x2a: {  	p0 =	seq.s32 s5, $0x0;
	s5 =	sld [smem:$0x3FB3]  }
0x2b: {  	s6 =	sld [smem:$0x3FB4]  }
0x2c: {  	s7 =	sld [smem:$0x3FB5]  }
0x2d: {  	s3 =	simm.s32 $0x108;
	s8 =	sld [smem:$0x3FB6]  }
0x2e: {  	s3 =	simm.s32 @!p0 $0x1082;
	s9 =	sld [smem:$0x3FB7]  }
0x2f: {  	lr =	sadd.s32 s0, s3;
	s0 =	sld [smem:$0x3FAE]  }
0x30: {  	s3 =	sld [smem:$0x3FB1]  }
0x31: {  	[smem:$0x3FBA] =	sst s10  }
0x32: {  	s10 =	sld [smem:$0x3FB8];
	_ =	sdelay $0x3  }
0x33: {  	p0 =	seq.s32 s10, $0x1;
	s10 =	sld [smem:$0x3FBA];
	_ =	sdelay $0x3  }
0x34: {  	[smem:$0x3FBA] =	sst s10  }
0x35: {  	s10 =	sld [smem:$0x3FB9];
	_ =	sdelay $0x3  }
0x36: {  	p1 =	seq.s32 s10, $0x1;
	s10 =	sld [smem:$0x3FBA];
	_ =	sdelay $0x3  }
0x37: {  	[smem:$0x3FBA] =	sst s10  }
0x38: {  	s10 =	sld [smem:$0x3FBB]  }
0x39: {  	_ = 	snop;
	(pc) =	sbr.ind lr, $3  }
0x3a: {  	_ = 	snop  }
0x3b: {  	_ = 	snop  }
0x3c: {  	p2 =	seq.s32 s10, $0x1;
	s10 =	sld [smem:$0x3FBA]  }
0x3d: {  	_ =	shalt  }
0x3e: {  	_ =	shalt  }
0x3f: {  	_ =	shalt  }
0x40: {  	_ =	shalt  }
0x41: {  	_ =	shalt  }
0x42: {  	_ =	shalt  }
0x43: {  	_ =	shalt  }
0x44: {  	_ =	shalt  }
0x45: {  	_ =	shalt  }
0x46: {  	_ =	shalt  }
0x47: {  	_ =	shalt  }
0x48: {  	_ =	shalt  }
0x49: {  	_ =	shalt  }
0x4a: {  	_ =	shalt  }
0x4b: {  	_ =	shalt  }
0x4c: {  	_ =	shalt  }
0x4d: {  	_ =	shalt  }
0x4e: {  	_ =	shalt  }
0x4f: {  	_ =	shalt  }
0x50: {  	_ =	shalt  }
0x51: {  	_ =	shalt  }
0x52: {  	_ =	shalt  }
0x53: {  	_ =	shalt  }
0x54: {  	_ =	shalt  }
0x55: {  	_ =	shalt  }
0x56: {  	_ =	shalt  }
0x57: {  	_ =	shalt  }
0x58: {  	_ =	shalt  }
0x59: {  	_ =	shalt  }
0x5a: {  	_ =	shalt  }
0x5b: {  	_ =	shalt  }
0x5c: {  	_ =	shalt  }
0x5d: {  	_ =	shalt  }
0x5e: {  	_ =	shalt  }
0x5f: {  	_ =	shalt  }
0x60: {  	_ =	shalt  }
0x61: {  	_ =	shalt  }
0x62: {  	_ =	shalt  }
0x63: {  	_ =	shalt  }
0x64: {  	_ =	shalt  }
0x65: {  	_ =	shalt  }
0x66: {  	_ =	shalt  }
0x67: {  	_ =	shalt  }
0x68: {  	_ =	shalt  }
0x69: {  	_ =	shalt  }
0x6a: {  	_ =	shalt  }
0x6b: {  	_ =	shalt  }
0x6c: {  	_ =	shalt  }
0x6d: {  	_ =	shalt  }
0x6e: {  	_ =	shalt  }
0x6f: {  	_ =	shalt  }
0x70: {  	_ =	shalt  }
0x71: {  	_ =	shalt  }
0x72: {  	_ =	shalt  }
0x73: {  	_ =	shalt  }
0x74: {  	_ =	shalt  }
0x75: {  	_ =	shalt  }
0x76: {  	_ =	shalt  }
0x77: {  	_ =	shalt  }
0x78: {  	_ =	shalt  }
0x79: {  	_ =	shalt  }
0x7a: {  	_ =	shalt  }
0x7b: {  	_ =	shalt  }
0x7c: {  	_ =	shalt  }
0x7d: {  	_ =	shalt  }
0x7e: {  	_ =	shalt  }
0x7f: {  	_ =	shalt  }
0x80: {  	_ =	shalt  }
0x81: {  	_ =	shalt  }
0x82: {  	_ =	shalt  }
0x83: {  	_ =	shalt  }
0x84: {  	_ =	shalt  }
0x85: {  	_ =	shalt  }
0x86: {  	_ =	shalt  }
0x87: {  	_ =	shalt  }
.Lfunc_end0:
.L_simem_size_0:
called_computation_lowered:
.L_overlay_start_0:
0x88: {  	s2 =	sld [smem:$0x3FD9]  }
0x89: {  	s3 =	sld [smem:$0x3FFE];
	_ =	sdelay $0x1  }
0x8a: {  	s1 =	srdreg.scid  }
0x8b: {  	s0 =	sand.u32 $0x1, s1  }
0x8c: {  	s17 =	sshll.u32 s0, $0xA;
	s2 =	sadd.s32 s3, s2  }
0x8d: {  	s2 =	sadd.s32 s2, s17  }
0x8e: {  	[smem:$0x3FC6] =	sst s2  }
0x8f: {  	_ = 	snop  }
0x90: {  	s2 =	sld [smem:$0x3FC8]  }
0x91: {  	s18 =	sld [smem:$0x3FD0];
	(tm) =	ssettm $0x1  }
0x92: {  	s4 =	sld [smem:$0x3FFB];
	_ =	sdelay $0x3  }
0x93: {  	_ =	strace s4  }
0x94: {  	s4 =	sld [smem:$0x3FFC];
	_ =	sdelay $0x3  }
0x95: {  	_ =	strace s4  }
0x96: {  	s4 =	sld [smem:$0x3FFD];
	_ =	sdelay $0x3  }
0x97: {  	_ =	strace s4  }
0x98: {  	_ =	strace $0x8FFFFFFF  }
0x99: {  	s19 =	sld [smem:$0x3FDB];
	_ =	sdelay $0x1  }
0x9a: {  	s5 =	simm.s32 $_scs_section_size  }
0x9b: {  	s6 =	simm.s32 $_size__tile_overlayer_lowered;
	s7 =	simm.s32 $_tile_overlayer_lowered  }
0x9c: {  	s22 =	simm.s32 $0x1BFF;
	s21 =	sshll.u32 s7, $0x1;
	s4 =	sadd.s32 s5, s19  }
0x9d: {  	s8 =	simm.s32 $0x0;
	s20 =	sshll.u32 s6, $0x1;
	s6 =	sadd.s32 s21, s4  }
0x9e: {  	[timem:s8], [sflag:s22] =	dma.local [hbm:s6], s20  }
0x9f: {  	_ =	swait.ge [sflag:s22], s20  }
0xa0: {  	s5 =	ssub.s32 $0x0, s20;
	[sflag:s22] =	ssyncset.done $0x0  }
0xa1: {  	[sflag:s22] =	ssyncadd.s32 s5;
	_ =	sdelay $0x1  }
0xa2: {  	s23 =	simm.s32 $0x1B8B  }
0xa3: {  	_ =	swait.ge [sflag:s23], $0x1  }
0xa4: {  	[sflag:s23] =	ssyncset.done $0x0  }
0xa5: {  	s25 =	simm.s32 $0x1B8E;
	s24 =	sld [smem:$0x3FFE];
	[sflag:s23] =	ssyncadd.s32 $0xFFFFFFFF  }
0xa6: {  	s26 =	simm.s32 $execute0_lowered;
	[smem:$0x3FD2] =	sst s25  }
0xa7: {  	s6 =	sshll.u32 s26, $0x1;
	_ =	strace $0x80000046;
	[dreg:$0x1] =	wrdreg $0xFFFFFFFF  }
0xa8: {  	s28 =	simm.s32 $_size_execute0_lowered;
	s4 =	sadd.s32 s4, s6;
	[dreg:$0x0] =	wrdreg $0x0  }
0xa9: {  	s6 =	sshll.u32 s28, $0x1;
	[dreg:$0x2] =	wrdreg s4  }
0xaa: {  	[dreg:$0x3] =	wrdreg s6  }
0xab: {  	[dreg:$0x4] =	wrdreg $0xC0  }
0xac: {  	_ =	task [dreg:s8], $0x5FFFF  }
0xad: {  	[dreg:$0x1] =	wrdreg $0xFFFFFFFF  }
0xae: {  	[dreg:$0x0] =	wrdreg $0x60  }
0xaf: {  	[dreg:$0x2] =	wrdreg s24  }
0xb0: {  	[dreg:$0x3] =	wrdreg s2  }
0xb1: {  	[dreg:$0x4] =	wrdreg s18  }
0xb2: {  	[dreg:$0x5] =	wrdreg $0x9  }
0xb3: {  	_ =	task.clear_ibuf [dreg:s8], $0x6FFFF;
	_ =	strace $0x90000046  }
0xb4: {  	s29 =	simm.s32 $0x9;
	_ =	strace $0x80000048  }
0xb5: {  	_ =	swait.ge [sflag:s29], $0x1  }
0xb6: {  	[sflag:s29] =	ssyncadd.s32 $0xFFFFFFFF  }
0xb7: {  	_ =	strace $0x90000048  }
0xb8: {  	_ =	sfence  }
0xb9: {  	s30 =	sld [smem:$0x0];
	_ =	sdelay $0x2  }
0xba: {  	s31 =	sshll.u32 s1, $0xD;
	s1 =	sshrl.u32 s1, $0x2  }
0xbb: {  	s3 =	sand.u32 $0x4000, s31;
	s1 =	sadd.s32 s1, s30  }
0xbc: {  	s0 =	sor.u32 s3, s0;
	s1 =	sshll.u32 s1, $0x11  }
0xbd: {  	s0 =	sor.u32 s1, s0  }
0xbe: {  	s0 =	sadd.s32 $0x8F2B, s0  }
0xbf: {  	[sflag:s0] =	ssyncadd.remote.s32 $0x1  }
0xc0: {  	_ =	sfence.sel $0xFFFF  }
0xc1: {  	[dreg:$0x0] =	wrdreg $0xFFFFFFFF;
	(pc) =	sbr.abs _section_cstart, $3  }
0xc2: {  	[dreg:$0x1] =	wrdreg $0xFFFFFFFF  }
0xc3: {  	_ =	task.clear_ibuf [dreg:s8], $0x2FFFF;
	_ =	strace $0x9FFFFFFF  }
0xc4: {  	(tm) =	ssettm $0x7FFFFFFF  }
0xc5: {  	_ =	shalt  }
tec
execute0_lowered:
.L_overlay_start_1:
0x0: {  	(tag) =	ssettag $0x1  }
0x1: {  	s0 =	rddreg [dreg:$0x0]  }
0x2: {  	s1 =	rddreg [dreg:$0x1]  }
0x3: {  	s5 =	rddreg [dreg:$0x2]  }
0x4: {  	s3 =	srdreg.scid;
	s2 =	stileid.u32;
	s9 =	simm.s32 $0x0  }
0x5: {  	s3 =	sand.u32 $0x1, s3;
	s4 =	sshll.u32 s2, $0x1;
	[smem:$0x7FF] =	sst s9  }
0x6: {  	v0 =	vimm.s32 $0xECA86420;
	s10 =	sadd.s32 $0x27DD400, s0;
	s4 =	sor.u32 s3, s4;
	_ =	strace $0x80000047  }
0x7: {  	vm0 =	vcmask $0xB08;
	vm1 =	vcmask $0x1310;
	vm2 =	vcmask $0x1B18;
	s6 =	ssub.s32 $0x2, s3;
	s7 =	smul.u32 $0x680, s4;
	s8 =	sshll.u32 s4, $0xB  }
0x8: {  	vm3 =	vcmask $0x300;
	vm4 =	vcmask $0x2320;
	vm5 =	vcmask $0x2B28;
	[dreg:$0x5] =	wrdreg s10;
	s30 =	sshrl.u32 s6, $0x1;
	s31 =	sadd.s32 s5, s8  }
0x9: {  	v1 =	vlaneseq.u32;
	vm6 =	vcmask $0x3330;
	v0 =	vunpack.c.l.s4.s8 v0;
	s0 =	ssub.s32 s6, s30;
	s1 =	sadd.s32 s1, s7;
	[dreg:$0x7] =	wrdreg s31  }
0xa: {  	vm7 =	vcmask $0x3B38;
	vm8 =	vmmov $0xff;
	v2 =	vimm.s32 $0x0;
	s0 =	smax.u32 s0, $0x1;
	[dreg:$0x6] =	wrdreg s1  }
0xb: {  	v3 =	vimm.f32 $0.0e+00;
	s2 =	simm.s32 $0x3;
	v1 =	vmul.u32 $0x2, v1;
	v0 =	vunpack.c.0.s8.s32 v0;
	[dreg:$0x8] =	wrdreg s0;
	s1 =	simm.s32 $0x0  }
.LBB2_1:
0xc: {  	[dreg:$0x9] =	wrdreg s1  }
0xd: {  	s0 =	rddreg [dreg:$0x6];
	s4 =	simm.s32 $0x0  }
0xe: {  	[tilespmem:s9], [sflag:$0x3] =	stream.linear.gather [hbm4b:s0+s9], $0x3400, $0x38;
	[tilespmem:$0x9400] =	vst v63  }
0xf: {  	s5 =	sand.u32 $0x180, s4;
	s15 =	sand.u32 $0x1F0, s4;
	_ =	swait.ge [sflag:s2], $0x3400  }
0x10: {  	s0 =	sand.u32 $0x3FFFFF80, s4;
	s1 =	ssub.s32 s15, s5;
	[sflag:s2] =	ssyncset.done $0x0  }
0x11: {  	s7 =	sadd.s32 s1, s0;
	[sflag:s2] =	ssyncadd.s32 $0xFFFFCC00  }
0x12: {  	v4 =	vld [tilespmem:s7+$0x0];
	_ =	sdelay $0x4  }
0x13: {  	(v2sf) =	vpush v4, $0xD  }
0x14: {  	(v2sf) =	vpush v4, $0x8;
	_ =	sdelay $0x1  }
0x15: {  	(v2sf) =	vpush v4, $0x0;
	_ =	sdelay $0x1  }
0x16: {  	(v2sf) =	vpush v4, $0x2;
	_ =	sdelay $0x1  }
0x17: {  	(v2sf) =	vpush v4, $0x1;
	_ =	sdelay $0x1  }
0x18: {  	(v2sf) =	vpush v4, $0x9  }
0x19: {  	(v2sf) =	vpush v4, $0x3  }
0x1a: {  	(v2sf) =	vpush v4, $0xE;
	_ =	sdelay $0x1  }
0x1b: {  	(v2sf) =	vpush v4, $0xA;
	_ =	sdelay $0x1  }
0x1c: {  	(v2sf) =	vpush v4, $0xF;
	s16 =	spop (v2sf)  }
0x1d: {  	(v2sf) =	vpush v4, $0xC;
	s21 =	smulhi.u32 $0xA80A80A9, s16;
	s6 =	spop (v2sf)  }
0x1e: {  	s25 =	sshra.s32 s16, $0x1F;
	s8 =	smulhi.u32 $0xA80A80A9, s6  }
0x1f: {  	s17 =	spop (v2sf);
	s25 =	smul.u32 $0xA80A80A9, s25  }
0x20: {  	s18 =	smulhi.u32 $0xA80A80A9, s17;
	s19 =	sshra.s32 s17, $0x1F  }
0x21: {  	s20 =	spop (v2sf);
	s19 =	smul.u32 $0xA80A80A9, s19  }
0x22: {  	s30 =	sshra.s32 s6, $0x1F;
	s16 =	ssub.s32 s21, s16;
	s24 =	smulhi.u32 $0xA80A80A9, s20  }
0x23: {  	s22 =	spop (v2sf);
	s0 =	ssub.s32 s8, s6;
	s8 =	smul.u32 $0xA80A80A9, s30  }
0x24: {  	(v2sf) =	vpush v4, $0xB;
	s15 =	sshra.s32 s20, $0x1F;
	s16 =	sadd.s32 s25, s16;
	s13 =	smulhi.u32 $0xA80A80A9, s22  }
0x25: {  	(v2sf) =	vpush v4, $0x4;
	s23 =	sshra.s32 s22, $0x1F;
	s26 =	spop (v2sf);
	s2 =	smul.u32 $0xA80A80A9, s15  }
0x26: {  	(v2sf) =	vpush v4, $0x6;
	s17 =	ssub.s32 s18, s17;
	s23 =	smul.u32 $0xA80A80A9, s23;
	s28 =	spop (v2sf)  }
0x27: {  	(v2sf) =	vpush v4, $0x5;
	s31 =	sadd.s32 s19, s17;
	s9 =	smulhi.u32 $0xA80A80A9, s28;
	s29 =	spop (v2sf)  }
0x28: {  	s24 =	ssub.s32 s24, s20;
	s11 =	sshra.s32 s28, $0x1F;
	s10 =	smulhi.u32 $0xA80A80A9, s29  }
0x29: {  	s20 =	sadd.s32 s8, s0;
	s12 =	spop (v2sf);
	s19 =	smul.u32 $0xA80A80A9, s11  }
0x2a: {  	s13 =	ssub.s32 s13, s22;
	s14 =	smulhi.u32 $0xA80A80A9, s12;
	s6 =	sshra.s32 s12, $0x1F  }
0x2b: {  	(v2sf) =	vpush v4, $0x7;
	s4 =	spop (v2sf);
	s17 =	ssub.s32 s10, s29;
	s10 =	smul.u32 $0xA80A80A9, s6  }
0x2c: {  	s18 =	ssub.s32 s9, s28;
	s28 =	spop (v2sf);
	s11 =	smulhi.u32 $0xA80A80A9, s4  }
0x2d: {  	s2 =	sadd.s32 s2, s24;
	s30 =	sshra.s32 s4, $0x1F;
	s3 =	smulhi.u32 $0xA80A80A9, s28  }
0x2e: {  	s29 =	sshra.s32 s29, $0x1F;
	s1 =	ssub.s32 s14, s12;
	s12 =	smul.u32 $0xA80A80A9, s30  }
0x2f: {  	s5 =	sadd.s32 s19, s18;
	s14 =	smul.u32 $0xA80A80A9, s29;
	s15 =	sshra.s32 s28, $0x1F  }
0x30: {  	s19 =	sadd.s32 s10, s1;
	s0 =	ssub.s32 s11, s4;
	s10 =	smul.u32 $0xA80A80A9, s15  }
0x31: {  	s13 =	sadd.s32 s23, s13;
	s23 =	sadd.s32 s12, s0;
	s12 =	smulhi.u32 $0xA80A80A9, s26  }
0x32: {  	s11 =	sshra.s32 s26, $0x1F;
	s4 =	ssub.s32 s3, s28;
	s28 =	sadd.s32 s14, s17  }
0x33: {  	s6 =	spop (v2sf);
	s24 =	ssub.s32 s12, s26;
	s26 =	smul.u32 $0xA80A80A9, s11  }
0x34: {  	s17 =	simm.s32 $0x1;
	s1 =	spop (v2sf);
	s15 =	smulhi.u32 $0xA80A80A9, s6  }
0x35: {  	s4 =	sadd.s32 s10, s4;
	s18 =	spop (v2sf);
	s14 =	smulhi.u32 $0xA80A80A9, s1  }
0x36: {  	s24 =	sadd.s32 s26, s24;
	s3 =	spop (v2sf);
	s26 =	smulhi.u32 $0xA80A80A9, s18  }
0x37: {  	v5 =	vmov s31;
	s30 =	sshra.s32 s6, $0x1F;
	s8 =	smulhi.u32 $0xA80A80A9, s3;
	s0 =	sshra.s32 s3, $0x1F  }
0x38: {  	v5 =	vnsel vm3, $0x0, v5;
	s22 =	ssub.s32 s14, s1;
	s1 =	sshra.s32 s1, $0x1F;
	s0 =	smul.u32 $0xA80A80A9, s0  }
0x39: {  	v5 =	vsel vm0, s13, v5;
	s31 =	ssub.s32 s15, s6;
	s6 =	simm.s32 $0x0;
	s29 =	smul.u32 $0xA80A80A9, s1  }
0x3a: {  	v5 =	vsel vm1, s2, v5;
	v6 =	vmov s4;
	s25 =	spop (v2sf);
	s1 =	sshra.s32 s18, $0x1F;
	s9 =	ssub.s32 s8, s3  }
0x3b: {  	v5 =	vsel vm2, s5, v5;
	v6 =	vsel vm0, s16, v6;
	s21 =	sadd.s32 s0, s9;
	s0 =	sshra.s32 s25, $0x1F;
	s22 =	sadd.s32 s29, s22  }
.LBB2_2:
0x3c: {  	s1 =	smul.u32 $0xA80A80A9, s1  }
0x3d: {  	v7 =	vmov s20;
	s4 =	smul.u32 $0xA80A80A9, s30  }
0x3e: {  	s20 =	smulhi.u32 $0xA80A80A9, s25;
	v7 =	vsel vm0, s24, v7  }
0x3f: {  	v6 =	vsel vm1, s28, v6;
	v5 =	vsel vm4, s22, v5;
	s0 =	smul.u32 $0xA80A80A9, s0;
	s5 =	ssub.s32 s26, s18;
	v7 =	vsel vm1, s19, v7;
	s4 =	sadd.s32 s4, s31  }
0x40: {  	v6 =	vsel vm2, s23, v6;
	v5 =	vsel vm5, s21, v5;
	s1 =	sadd.s32 s1, s5;
	s22 =	ssub.s32 s20, s25;
	v7 =	vsel vm2, s4, v7  }
0x41: {  	v5 =	vsel vm6, s1, v5;
	s0 =	sadd.s32 s0, s22;
	v6 =	vcombine.low v7, v6  }
0x42: {  	v5 =	vsel vm7, s0, v5  }
0x43: {  	v5 =	vperm.xlane v5, v1;
	v6 =	vperm.xlane v6, v0;
	_ =	sdelay $0x1  }
0x44: {  	v5 =	vsel vm8, v5, v6  }
0x45: {  	v5 =	vadd.s32 v4, v5  }
0x46: {  	v6 =	vshrl.u32 v5, $0x1F;
	v5 =	vshra.s32 v5, $0xE  }
0x47: {  	v5 =	vadd.s32 v6, v5  }
0x48: {  	v6 =	vmul.u32 $0xFFFF9E80, v5  }
0x49: {  	v7 =	vsub.s32 $0x0, v4  }
0x4a: {  	vm9 =	vlt.s32 v4, $0x1;
	vm10 =	vne.s32 v6, v7  }
0x4b: {  	vm9 =	vmand vm9, vm10  }
0x4c: {  	v6 =	vsel vm9, $0xFFFFFFFF, v2  }
0x4d: {  	v5 =	vadd.s32 v6, v5  }
0x4e: {  	s23 =	sshrl.u32 s6, $0x5;
	vm9 =	vlt.s32 v5, $0x3  }
0x4f: {  	s2 =	smov.u32 s17;
	s0 =	smul.u32 $0x6220, s23;
	v5 =	vnsel vm9, $0x3, v5  }
0x50: {  	s24 =	smov.u32 s2;
	v6 =	vmul.u32 $0x3FFF9E80, v5  }
0x51: {  	s1 =	sshll.u32 s24, $0x4;
	v4 =	vadd.s32 s0, v4  }
0x52: {  	s25 =	sand.u32 $0x180, s1;
	s26 =	sand.u32 $0x1F0, s1;
	v4 =	vadd.s32 v6, v4  }
0x53: {  	s1 =	sand.u32 $0x3FFFFF80, s1;
	s29 =	ssub.s32 s26, s25;
	v4 =	vshll.u32 v4, $0x2  }
0x54: {  	s0 =	sadd.s32 s29, s1;
	v4 =	vadd.s32 v5, v4  }
0x55: {  	s16 =	smov.u32 s0;
	[tilespmem:s7+$0x0] =	vst v4  }
0x56: {  	v4 =	vld [tilespmem:s16+$0x0];
	_ =	sdelay $0x4  }
0x57: {  	(v2sf) =	vpush v4, $0xD  }
0x58: {  	(v2sf) =	vpush v4, $0x8;
	_ =	sdelay $0x1  }
0x59: {  	(v2sf) =	vpush v4, $0x0;
	_ =	sdelay $0x1  }
0x5a: {  	(v2sf) =	vpush v4, $0x2  }
0x5b: {  	(v2sf) =	vpush v4, $0x1;
	_ =	sdelay $0x1  }
0x5c: {  	(v2sf) =	vpush v4, $0x9;
	_ =	sdelay $0x1  }
0x5d: {  	(v2sf) =	vpush v4, $0x3  }
0x5e: {  	(v2sf) =	vpush v4, $0xE;
	_ =	sdelay $0x1  }
0x5f: {  	(v2sf) =	vpush v4, $0xA;
	_ =	sdelay $0x1  }
0x60: {  	(v2sf) =	vpush v4, $0xF;
	s21 =	spop (v2sf)  }
0x61: {  	(v2sf) =	vpush v4, $0xC;
	s22 =	smulhi.u32 $0xA80A80A9, s21;
	s1 =	spop (v2sf)  }
0x62: {  	p0 =	sne.s32 s17, $0x33F;
	s9 =	sshra.s32 s21, $0x1F;
	s6 =	smulhi.u32 $0xA80A80A9, s1  }
0x63: {  	s17 =	sadd.s32 $0x1, s17;
	(v2sf) =	vpush v4, $0xB;
	s8 =	spop (v2sf);
	s29 =	smul.u32 $0xA80A80A9, s9  }
0x64: {  	[dreg:$0x4] =	wrdreg s24;
	(v2sf) =	vpush v4, $0x4;
	s10 =	smulhi.u32 $0xA80A80A9, s8;
	s11 =	sshra.s32 s8, $0x1F  }
0x65: {  	s18 =	sshra.s32 s1, $0x1F;
	s12 =	spop (v2sf);
	s5 =	smul.u32 $0xA80A80A9, s11  }
0x66: {  	s13 =	spop (v2sf);
	s15 =	smulhi.u32 $0xA80A80A9, s12;
	s0 =	ssub.s32 s6, s1  }
0x67: {  	s6 =	sshra.s32 s12, $0x1F;
	s2 =	ssub.s32 s10, s8;
	s10 =	smulhi.u32 $0xA80A80A9, s13  }
0x68: {  	(v2sf) =	vpush v4, $0x6;
	s14 =	sshra.s32 s13, $0x1F;
	s24 =	spop (v2sf);
	s6 =	smul.u32 $0xA80A80A9, s6  }
0x69: {  	(v2sf) =	vpush v4, $0x5;
	s19 =	smul.u32 $0xA80A80A9, s14;
	s2 =	sadd.s32 s5, s2;
	s26 =	sshra.s32 s24, $0x1F  }
0x6a: {  	s20 =	spop (v2sf);
	s4 =	ssub.s32 s15, s12;
	s15 =	smul.u32 $0xA80A80A9, s18  }
0x6b: {  	s23 =	smulhi.u32 $0xA80A80A9, s20;
	s25 =	sshra.s32 s20, $0x1F;
	s3 =	spop (v2sf)  }
0x6c: {  	s4 =	sadd.s32 s6, s4;
	s6 =	rddreg [dreg:$0x4];
	s7 =	smulhi.u32 $0xA80A80A9, s3  }
0x6d: {  	s13 =	ssub.s32 s10, s13;
	s8 =	spop (v2sf);
	s9 =	smul.u32 $0xA80A80A9, s25  }
0x6e: {  	(v2sf) =	vpush v4, $0x7;
	s28 =	sshra.s32 s3, $0x1F;
	s1 =	ssub.s32 s23, s20;
	s11 =	smulhi.u32 $0xA80A80A9, s8  }
0x6f: {  	s23 =	sshra.s32 s8, $0x1F;
	s31 =	spop (v2sf);
	s28 =	smul.u32 $0xA80A80A9, s28  }
0x70: {  	v5 =	vmov s2;
	s5 =	ssub.s32 s7, s3;
	s7 =	spop (v2sf);
	s25 =	smul.u32 $0xA80A80A9, s23  }
0x71: {  	v5 =	vnsel vm3, $0x0, v5;
	s13 =	sadd.s32 s19, s13;
	s12 =	sshra.s32 s31, $0x1F;
	s19 =	smulhi.u32 $0xA80A80A9, s7  }
0x72: {  	v5 =	vsel vm0, s13, v5;
	s2 =	ssub.s32 s11, s8;
	s11 =	smulhi.u32 $0xA80A80A9, s31;
	s13 =	spop (v2sf)  }
0x73: {  	s20 =	sadd.s32 s15, s0;
	s12 =	smul.u32 $0xA80A80A9, s12;
	s8 =	spop (v2sf)  }
0x74: {  	s9 =	sadd.s32 s9, s1;
	s23 =	smulhi.u32 $0xA80A80A9, s13;
	s10 =	sshra.s32 s8, $0x1F  }
0x75: {  	s14 =	sshra.s32 s7, $0x1F;
	s11 =	ssub.s32 s11, s31;
	s10 =	smul.u32 $0xA80A80A9, s10  }
0x76: {  	s30 =	sshra.s32 s13, $0x1F;
	s31 =	ssub.s32 s23, s13;
	s13 =	smul.u32 $0xA80A80A9, s14  }
0x77: {  	s18 =	spop (v2sf);
	s14 =	ssub.s32 s22, s21;
	s21 =	smulhi.u32 $0xA80A80A9, s24  }
0x78: {  	s7 =	ssub.s32 s19, s7;
	s3 =	spop (v2sf);
	s22 =	smul.u32 $0xA80A80A9, s26  }
0x79: {  	s19 =	sadd.s32 s25, s2;
	s15 =	sshra.s32 s3, $0x1F;
	s2 =	smulhi.u32 $0xA80A80A9, s3  }
0x7a: {  	s28 =	sadd.s32 s28, s5;
	s23 =	sadd.s32 s12, s11;
	s11 =	smul.u32 $0xA80A80A9, s15  }
.Ltmp0:
0x7b: {  	s1 =	sshra.s32 s18, $0x1F;
	s5 =	sadd.s32 s29, s14;
	(pc) =	sbr.rel @p0 .LBB2_2-.Ltmp0, $4  }
0x7c: {  	s15 =	smulhi.u32 $0xA80A80A9, s8;
	s7 =	sadd.s32 s13, s7;
	s26 =	ssub.s32 s21, s24  }
0x7d: {  	s25 =	spop (v2sf);
	s2 =	ssub.s32 s2, s3;
	v6 =	vmov s7;
	s7 =	smov.u32 s16  }
0x7e: {  	v5 =	vsel vm1, s4, v5;
	s24 =	sadd.s32 s22, s26;
	s26 =	smulhi.u32 $0xA80A80A9, s18;
	s29 =	ssub.s32 s15, s8  }
0x7f: {  	v5 =	vsel vm2, s9, v5;
	s0 =	sshra.s32 s25, $0x1F;
	s21 =	sadd.s32 s11, s2;
	v6 =	vsel vm0, s5, v6;
	s22 =	sadd.s32 s10, s29  }
0x80: {  	s1 =	smul.u32 $0xA80A80A9, s1  }
0x81: {  	v7 =	vmov s20;
	s2 =	smul.u32 $0xA80A80A9, s30  }
0x82: {  	s3 =	smulhi.u32 $0xA80A80A9, s25;
	v7 =	vsel vm0, s24, v7  }
0x83: {  	s4 =	ssub.s32 s26, s18;
	v6 =	vsel vm1, s28, v6;
	v5 =	vsel vm4, s22, v5;
	s0 =	smul.u32 $0xA80A80A9, s0;
	v7 =	vsel vm1, s19, v7;
	s2 =	sadd.s32 s2, s31  }
0x84: {  	v6 =	vsel vm2, s23, v6;
	v5 =	vsel vm5, s21, v5;
	s1 =	sadd.s32 s1, s4;
	s30 =	ssub.s32 s3, s25;
	v7 =	vsel vm2, s2, v7  }
0x85: {  	v5 =	vsel vm6, s1, v5;
	s0 =	sadd.s32 s0, s30;
	v6 =	vcombine.low v7, v6  }
0x86: {  	v5 =	vsel vm7, s0, v5  }
0x87: {  	v5 =	vperm.xlane v5, v1;
	v6 =	vperm.xlane v6, v0;
	_ =	sdelay $0x1  }
0x88: {  	v5 =	vsel vm8, v5, v6  }
0x89: {  	v5 =	vadd.s32 v4, v5  }
0x8a: {  	v60 =	vshrl.u32 v5, $0x1F;
	v5 =	vshra.s32 v5, $0xE  }
0x8b: {  	v5 =	vadd.s32 v60, v5  }
0x8c: {  	v6 =	vmul.u32 $0xFFFF9E80, v5  }
0x8d: {  	v61 =	vsub.s32 $0x0, v4  }
0x8e: {  	vm9 =	vlt.s32 v4, $0x1;
	vm10 =	vne.s32 v6, v61  }
0x8f: {  	vm9 =	vmand vm9, vm10  }
0x90: {  	v62 =	vsel vm9, $0xFFFFFFFF, v2  }
0x91: {  	v5 =	vadd.s32 v62, v5  }
0x92: {  	s31 =	sshrl.u32 s6, $0x5;
	vm9 =	vlt.s32 v5, $0x3  }
0x93: {  	s0 =	smul.u32 $0x6220, s31;
	v5 =	vnsel vm9, $0x3, v5  }
0x94: {  	v63 =	vmul.u32 $0x3FFF9E80, v5  }
0x95: {  	v4 =	vadd.s32 s0, v4  }
0x96: {  	v4 =	vadd.s32 v63, v4  }
0x97: {  	v4 =	vshll.u32 v4, $0x2  }
0x98: {  	v4 =	vadd.s32 v5, v4  }
0x99: {  	s1 =	simm.s32 $0x0;
	s0 =	simm.s32 $0x40;
	[tilespmem:s7+$0x0] =	vst v4  }
.LBB2_4:
0x9a: {  	p0 =	sne.s32 s0, $0xFFC0;
	[tilespmem:s1+$0x5400] =	vst v3;
	s1 =	smov.u32 s0;
	s0 =	sadd.s32 $0x40, s0  }
.Ltmp1:
0x9b: {  	(pc) =	sbr.rel @p0 .LBB2_4-.Ltmp1, $2  }
0x9c: {  	_ =	sdelay $0x2  }
0x9d: {  	s1 =	sshra.s32 s1, $0x2  }
0x9e: {  	s15 =	simm.s32 $0x0  }
0x9f: {  	s10 =	rddreg [dreg:$0x5];
	s4 =	simm.s32 $0x80;
	s0 =	simm.s32 $0x3400  }
0xa0: {  	p0 =	por $0x0, $0x0;
	s16 =	simm.s32 $0x5400;
	s9 =	simm.s32 $0x0  }
0xa1: {  	[tilespmem:s1+$0x5400] =	vst v3;
	s5 =	simm.s32 $0x1;
	s6 =	simm.s32 $0x4400;
	s7 =	simm.s32 $0x2  }
0xa2: {  	[tilespmem:s0], [sflag:$0x1] =	stream.indirect.gather [hbm4b:s10+s4], $0x20, s15, s4, $0xb8;
	[tilespmem:$0x9400] =	vst v63  }
.LBB2_6:
0xa3: {  	s1 =	sshrl.u32 s15, $0x1  }
0xa4: {  	s0 =	sshllo.u32 s15, $0x1;
	s2 =	sshll.u32 s1, $0x2  }
0xa5: {  	s0 =	ssub.s32 s0, s2  }
0xa6: {  	s30 =	sshll.u32 s15, $0x8;
	s0 =	sshll.u32 s0, $0x9  }
0xa7: {  	s2 =	sand.u32 $0x3FFFFE00, s30;
	s0 =	sshra.s32 s0, $0x2  }
0xa8: {  	s0 =	sadd.s32 s0, s2  }
0xa9: {  	[tilespmem:s6], [sflag:$0x2] =	stream.indirect.gather [hbm4b:s10+s4], $0x20, s0, s4, $0xb8;
	[tilespmem:$0x9400] =	vst v63  }
0xaa: {  	_ =	swait.ge [sflag:s5], $0x1000  }
0xab: {  	[sflag:s5] =	ssyncset.done $0x0  }
0xac: {  	s31 =	simm.s32 $0x0;
	[sflag:s5] =	ssyncadd.s32 $0xFFFFF000  }
0xad: {  	s0 =	simm.s32 $0x1;
	v4 =	vld [tilespmem:s31+$0x3460]  }
0xae: {  	s0 =	simm.s32 @!p0 $0x0;
	v5 =	vld [tilespmem:s31+$0x3400]  }
0xaf: {  	s0 =	sshll.u32 s0, $0xD  }
0xb0: {  	s0 =	sor.u32 $0x5400, s0;
	v6 =	vld [tilespmem:s31+$0x3420]  }
0xb1: {  	v7 =	vld [tilespmem:s31+$0x3440];
	s18 =	sadd.s32 $0x0, s0  }
0xb2: {  	[tilespmem:s18+$0x60] =	vst.add.f32.msk $0xffff, v4  }
0xb3: {  	[tilespmem:s18+$0x0] =	vst.add.f32.msk $0xffff, v5  }
0xb4: {  	v4 =	vld [tilespmem:s31+$0x3470]  }
0xb5: {  	[tilespmem:s18+$0x20] =	vst.add.f32.msk $0xffff, v6  }
0xb6: {  	v5 =	vld [tilespmem:s31+$0x3410]  }
0xb7: {  	s1 =	sshll.u32 s1, $0x10;
	[tilespmem:s18+$0x40] =	vst.add.f32.msk $0xffff, v7  }
0xb8: {  	s1 =	ssub.s32 $0x0, s1;
	v6 =	vld [tilespmem:s31+$0x3450]  }
0xb9: {  	s19 =	simm.s32 $0x0;
	s1 =	sshra.s32 s1, $0x2;
	[tilespmem:s18+$0x70] =	vst.add.f32.msk $0xffff, v4  }
0xba: {  	s20 =	simm.s32 $0x200;
	s17 =	sadd.s32 s1, s16;
	s1 =	sshll.u32 s15, $0x1;
	v4 =	vld [tilespmem:s31+$0x3430]  }
.LBB2_7:
0xbb: {  	s2 =	sshra.s32 s20, $0x2;
	s19 =	sadd.s32 $0x4, s19;
	[tilespmem:s18+$0x10] =	vst.add.f32.msk $0xffff, v5  }
0xbc: {  	v5 =	vld [tilespmem:s2+$0x3460];
	p1 =	slt.u32 s19, $0x7C  }
0xbd: {  	v7 =	vld [tilespmem:s2+$0x3400]  }
0xbe: {  	v8 =	vld [tilespmem:s2+$0x3420];
	v9 =	vmov v6  }
0xbf: {  	v6 =	vld [tilespmem:s2+$0x3440]  }
0xc0: {  	s3 =	sadd.s32 s2, s0;
	[tilespmem:s18+$0x30] =	vst.add.f32.msk $0xffff, v4  }
0xc1: {  	[tilespmem:s3+$0x60] =	vst.add.f32.msk $0xffff, v5  }
0xc2: {  	v4 =	vld [tilespmem:s2+$0x3470]  }
0xc3: {  	[tilespmem:s3+$0x0] =	vst.add.f32.msk $0xffff, v7  }
0xc4: {  	[tilespmem:s3+$0x20] =	vst.add.f32.msk $0xffff, v8  }
0xc5: {  	[tilespmem:s3+$0x40] =	vst.add.f32.msk $0xffff, v6  }
.Ltmp2:
0xc6: {  	v5 =	vld [tilespmem:s2+$0x3410];
	(pc) =	sbr.rel @p1 .LBB2_7-.Ltmp2, $4  }
0xc7: {  	[tilespmem:s3+$0x70] =	vst.add.f32.msk $0xffff, v4  }
0xc8: {  	v4 =	vld [tilespmem:s2+$0x3430]  }
0xc9: {  	v6 =	vld [tilespmem:s2+$0x3450]  }
0xca: {  	s20 =	sadd.s32 $0x200, s20;
	[tilespmem:s18+$0x50] =	vst.add.f32.msk $0xffff, v9;
	s18 =	smov.u32 s3  }
0xcb: {  	p1 =	seq.s32 s15, $0x33  }
0xcc: {  	[tilespmem:s18+$0x10] =	vst.add.f32.msk $0xffff, v5;
	s0 =	sshll.u32 @!p1 s1, $0x7  }
0xcd: {  	[tilespmem:s18+$0x30] =	vst.add.f32.msk $0xffff, v4;
	s0 =	sadd.s32 @!p1 $0x100, s0  }
0xce: {  	s1 =	simm.s32 @!p1 $0x80;
	s2 =	simm.s32 @!p1 $0x3400;
	[tilespmem:s18+$0x50] =	vst.add.f32.msk $0xffff, v6;
	s0 =	sand.u32 @!p1 $0x3FFFFF80, s0  }
0xcf: {  	[tilespmem:s2], [sflag:$0x1] =	stream.indirect.gather @!p1 [hbm4b:s10+s1], $0x20, s0, s1, $0xb8;
	[tilespmem:$0x9400] =	vst v63  }
0xd0: {  	_ =	swait.ge [sflag:s7], $0x1000  }
0xd1: {  	[sflag:s7] =	ssyncset.done $0x0  }
0xd2: {  	s31 =	simm.s32 $0x0;
	[sflag:s7] =	ssyncadd.s32 $0xFFFFF000  }
0xd3: {  	v4 =	vld [tilespmem:s31+$0x4460]  }
0xd4: {  	v5 =	vld [tilespmem:s31+$0x4400];
	_ =	sdelay $0x1  }
0xd5: {  	v6 =	vld [tilespmem:s31+$0x4420]  }
0xd6: {  	s0 =	sadd.s32 $0x0, s17;
	v7 =	vld [tilespmem:s31+$0x4440]  }
0xd7: {  	[tilespmem:s0+$0x1060] =	vst.add.f32.msk $0xffff, v4  }
0xd8: {  	[tilespmem:s0+$0x1000] =	vst.add.f32.msk $0xffff, v5  }
0xd9: {  	v4 =	vld [tilespmem:s31+$0x4470]  }
0xda: {  	[tilespmem:s0+$0x1020] =	vst.add.f32.msk $0xffff, v6  }
0xdb: {  	v6 =	vld [tilespmem:s31+$0x4410]  }
0xdc: {  	[tilespmem:s0+$0x1040] =	vst.add.f32.msk $0xffff, v7  }
0xdd: {  	v5 =	vld [tilespmem:s31+$0x4450]  }
0xde: {  	[tilespmem:s0+$0x1070] =	vst.add.f32.msk $0xffff, v4  }
0xdf: {  	s18 =	simm.s32 $0x200;
	s1 =	simm.s32 $0x0;
	v4 =	vld [tilespmem:s31+$0x4430]  }
.LBB2_9:
0xe0: {  	s2 =	sshra.s32 s18, $0x2;
	s1 =	sadd.s32 $0x4, s1;
	[tilespmem:s0+$0x1010] =	vst.add.f32.msk $0xffff, v6  }
0xe1: {  	v6 =	vld [tilespmem:s2+$0x4460];
	p1 =	slt.u32 s1, $0x7C  }
0xe2: {  	v7 =	vld [tilespmem:s2+$0x4400]  }
0xe3: {  	v8 =	vld [tilespmem:s2+$0x4420];
	v9 =	vmov v5  }
0xe4: {  	v5 =	vld [tilespmem:s2+$0x4440]  }
0xe5: {  	s3 =	sadd.s32 s2, s17;
	[tilespmem:s0+$0x1030] =	vst.add.f32.msk $0xffff, v4  }
0xe6: {  	[tilespmem:s3+$0x1060] =	vst.add.f32.msk $0xffff, v6  }
0xe7: {  	v4 =	vld [tilespmem:s2+$0x4470]  }
0xe8: {  	[tilespmem:s3+$0x1000] =	vst.add.f32.msk $0xffff, v7  }
0xe9: {  	[tilespmem:s3+$0x1020] =	vst.add.f32.msk $0xffff, v8  }
0xea: {  	[tilespmem:s3+$0x1040] =	vst.add.f32.msk $0xffff, v5  }
.Ltmp3:
0xeb: {  	v6 =	vld [tilespmem:s2+$0x4410];
	(pc) =	sbr.rel @p1 .LBB2_9-.Ltmp3, $4  }
0xec: {  	[tilespmem:s3+$0x1070] =	vst.add.f32.msk $0xffff, v4  }
0xed: {  	v4 =	vld [tilespmem:s2+$0x4430]  }
0xee: {  	v5 =	vld [tilespmem:s2+$0x4450]  }
0xef: {  	s18 =	sadd.s32 $0x200, s18;
	[tilespmem:s0+$0x1050] =	vst.add.f32.msk $0xffff, v9;
	s0 =	smov.u32 s3  }
0xf0: {  	s15 =	sadd.s32 $0x1, s15  }
0xf1: {  	p1 =	sne.s32 s15, $0x34  }
.Ltmp4:
0xf2: {  	_ = 	snop;
	(pc) =	sbr.rel @p1 .LBB2_6-.Ltmp4, $4  }
0xf3: {  	_ = 	snop  }
0xf4: {  	[tilespmem:s0+$0x1010] =	vst.add.f32.msk $0xffff, v6  }
0xf5: {  	[tilespmem:s0+$0x1030] =	vst.add.f32.msk $0xffff, v4  }
0xf6: {  	p0 =	por !p0, !p0;
	s16 =	sadd.s32 $0x2000, s16;
	[tilespmem:s0+$0x1050] =	vst.add.f32.msk $0xffff, v5  }
0xf7: {  	s0 =	rddreg [dreg:$0x7];
	s1 =	simm.s32 $0x5400;
	s2 =	simm.s32 $0x3  }
0xf8: {  	[hbm4b:s0+s9] =	stream.linear.scatter [tilespmem:s1], [sflag:$0x3], $0x4000, $0x38;
	[tilespmem:$0x9400] =	vst v63  }
0xf9: {  	_ =	swait.ge [sflag:s2], $0x4000  }
0xfa: {  	s30 =	rddreg [dreg:$0x9]  }
0xfb: {  	s31 =	rddreg [dreg:$0x8];
	s1 =	sadd.s32 $0x1, s30  }
0xfc: {  	p0 =	sne.s32 s1, s31  }
.Ltmp5:
0xfd: {  	_ = 	snop;
	(pc) =	sbr.rel @p0 .LBB2_1-.Ltmp5, $3  }
0xfe: {  	_ =	sdelay $0x1  }
0xff: {  	[sflag:s2] =	ssyncset.done $0x0  }
0x100: {  	[sflag:s2] =	ssyncadd.s32 $0xFFFFC000  }
0x101: {  	_ =	sfence.sel $0x180000  }
0x102: {  	[bflag:$0x0] =	sbarrier.arrive $0xFFFF  }
0x103: {  	_ =	strace $0x90000047  }
0x104: {  	s0 =	stileid.u32;
	[bflag:$0x2] =	sbarrier.arrive $0xFFFF  }
0x105: {  	p0 =	sne.s32 s0, $0x0;
	s0 =	rddreg [dreg:$0x3]  }
0x106: {  	s0 =	sadd.s32 @!p0 $0x100000, s0  }
0x107: {  	[sflag:s0] =	ssyncadd.tile.s32 @!p0 $0x1;
	_ =	shalt  }
.Lfunc_end2:
_tile_overlayer_lowered:
.L_overlay_start_2:
0x108: {  	(tag) =	ssettag $0x2  }
0x109: {  	s0 =	rddreg [dreg:$0x0];
	s2 =	stileid.u32  }
0x10a: {  	s1 =	rddreg [dreg:$0x1];
	p0 =	sne.s32 s2, $0x0  }
0x10b: {  	s3 =	rddreg [dreg:$0x2];
	[bflag:$0x3] =	sbarrier.arrive $0xFFFF;
	s2 =	simm.s32 @!p0 $0x1C03  }
0x10c: {  	[timem:s3], [sflag:s2] =	dma.local @!p0 [hbm:s0], s1  }
0x10d: {  	s0 =	simm.s32 @!p0 $0x3  }
0x10e: {  	_ =	swait.ge @!p0 [sflag:s0], s1  }
0x10f: {  	s1 =	ssub.s32 @!p0 $0x0, s1;
	[sflag:s0] =	ssyncset.done @!p0 $0x0  }
0x110: {  	[sflag:s0] =	ssyncadd.s32 @!p0 s1  }
0x111: {  	[bflag:$0x3] =	sbarrier.arrive $0xFFFF  }
0x112: {  	_ =	shalt  }

</sc_bundles>
